<compile_context>
chip_gen: v7x
topology: tpu7x:2x2x1
jax: 0.10.2.dev20260603
libtpu: 0.0.44.dev20260713+nightly
codegen_flags: <defaults>
</compile_context>

<pallas_src>
import functools

import jax
import jax.numpy as jnp
from jax import lax
from jax.experimental import pallas as pl
from jax.experimental.pallas import tpu as pltpu
from jax.experimental.pallas import tpu_sc as plsc

NUM_CORES = 2
NUM_SUBCORES = 16
NUM_WORKERS = NUM_CORES * NUM_SUBCORES
CHUNK = 128
EMBED_DIM = 128
ROW_PAD = 136


def _fuse_table_body(emb_ref, fr_ref, pr_ref, w1_ref, w2_ref, b_ref, out_ref):
    out_ref[...] = (
        emb_ref[...]
        + jnp.dot(fr_ref[...], w1_ref[...], preferred_element_type=jnp.float32)
        + jnp.dot(pr_ref[...], w2_ref[...], preferred_element_type=jnp.float32)
        + b_ref[...]
    )


def _fuse_table(emb, fr, pr, w1, w2, b):
    return pl.pallas_call(
        _fuse_table_body,
        out_shape=jax.ShapeDtypeStruct((ROW_PAD, EMBED_DIM), jnp.float32),
    )(emb, fr, pr, w1, w2, b)


@functools.partial(jax.jit, static_argnums=(2, 3))
def _gather_rows(table, idx2d, n_chunks_total, n_chunks_per_worker):
    mesh = plsc.VectorSubcoreMesh(core_axis_name="c", subcore_axis_name="s")

    nbuf = 5
    assert n_chunks_per_worker % nbuf == 0 and n_chunks_per_worker > nbuf

    @functools.partial(
        pl.kernel,
        mesh=mesh,
        out_type=jax.ShapeDtypeStruct((n_chunks_total * CHUNK, EMBED_DIM),
                                      jnp.float32),
        scratch_types=[
            pltpu.VMEM((n_chunks_per_worker, CHUNK), jnp.int32),
            [pltpu.VMEM((CHUNK, EMBED_DIM), jnp.float32)] * nbuf,
            [pltpu.SemaphoreType.DMA] * nbuf,
            [pltpu.SemaphoreType.DMA] * nbuf,
        ],
    )
    def gather(table_hbm, idx_hbm, out_hbm, idx_v, rows, gsem, ssem):
        wid = lax.axis_index("s") * NUM_CORES + lax.axis_index("c")
        row0 = wid * n_chunks_per_worker * CHUNK

        def gather_start(g, bi):
            pltpu.async_copy(table_hbm.at[idx_v.at[g]], rows[bi], gsem[bi])

        def gather_wait(g, bi):
            pltpu.make_async_copy(table_hbm.at[idx_v.at[g]], rows[bi],
                                  gsem[bi]).wait()

        def out_slice(g):
            return out_hbm.at[pl.ds(row0 + g * CHUNK, CHUNK)]

        pltpu.sync_copy(idx_hbm.at[wid], idx_v)

        base = (4 * wid * ROW_PAD
                + (lax.iota(jnp.int32, 16) % 4) * ROW_PAD)

        @pl.loop(0, n_chunks_per_worker)
        def adjust(g):
            for j in range(CHUNK // 16):
                sl = pl.ds(j * 16, 16)
                idx_v[g, sl] = idx_v[g, sl] + base

        for bi in range(nbuf):
            gather_start(bi, bi)

        @pl.loop(0, n_chunks_per_worker, step=nbuf)
        def outer(g0):
            for bi in range(nbuf):
                g = g0 + bi
                gather_wait(g, bi)
                pltpu.async_copy(rows[bi], out_slice(g), ssem[bi])

                @pl.when(g + nbuf < n_chunks_per_worker)
                def _():
                    pltpu.make_async_copy(rows[bi], out_slice(g),
                                          ssem[bi]).wait()
                    gather_start(g + nbuf, bi)

        for bi in range(nbuf):
            g_last = n_chunks_per_worker - nbuf + bi
            pltpu.make_async_copy(rows[bi], out_slice(g_last),
                                  ssem[bi]).wait()

    return gather(table, idx2d)


def kernel(instrument_indices, embedding_table, frequency_ranges,
           instrument_properties, W, b):
    batch, seq = instrument_indices.shape
    pad = ROW_PAD - embedding_table.shape[0]
    emb = jnp.pad(embedding_table, ((0, pad), (0, 0)))
    fr = jnp.pad(frequency_ranges, ((0, pad), (0, 0)))
    pr = jnp.pad(instrument_properties, ((0, pad), (0, 0)))
    fused = _fuse_table(emb, fr, pr, W[:fr.shape[1]], W[fr.shape[1]:],
                        b.reshape(1, EMBED_DIM))
    fused = jnp.tile(fused, (4 * NUM_WORKERS, 1))

    total = batch * seq
    n_chunks_total = total // CHUNK
    n_chunks_per_worker = n_chunks_total // NUM_WORKERS
    idx2d = instrument_indices.reshape(
        NUM_WORKERS, n_chunks_per_worker, CHUNK).astype(jnp.int32)
    out = _gather_rows(fused, idx2d, n_chunks_total, n_chunks_per_worker)
    return out.reshape(batch, seq, EMBED_DIM)

# --- scband reference (transcript-rebuilt; emitter-appended) ---
"""Pipeline reference for scband-instrument-embedding-51608327029225 (READ-ONLY COPY).

The authoritative reference and input builder live on the scoring server;
editing this copy changes nothing except your own understanding.
"""

import jax, jax.numpy as jnp
import numpy as np

NUM_INSTRUMENTS = 128
EMBED_DIM = 128
TABLE_ROWS = NUM_INSTRUMENTS + 1  # +1 unknown slot
FREQ_FEAT = 4
PROP_FEAT = 5
BATCH = 4096
SEQ = 200


def setup_inputs(seed: int = 0) -> dict:
    key = jax.random.key(seed)
    k_idx, k_emb, k_fr, k_pr, k_w, k_b = jax.random.split(key, 6)
    instrument_indices = jax.random.randint(k_idx, (BATCH, SEQ), 0, TABLE_ROWS, dtype=jnp.int64 if jax.config.read('jax_enable_x64') else jnp.int32)
    embedding_table = jax.random.normal(k_emb, (TABLE_ROWS, EMBED_DIM), dtype=jnp.float32)
    frequency_ranges = jax.random.uniform(k_fr, (TABLE_ROWS, FREQ_FEAT), dtype=jnp.float32)
    instrument_properties = jax.random.uniform(k_pr, (TABLE_ROWS, PROP_FEAT), dtype=jnp.float32)
    feat_dim = FREQ_FEAT + PROP_FEAT
    W = jax.random.normal(k_w, (feat_dim, EMBED_DIM), dtype=jnp.float32) / np.sqrt(feat_dim)
    b = jnp.zeros((EMBED_DIM,), dtype=jnp.float32)
    return {
        'instrument_indices': instrument_indices,
        'embedding_table': embedding_table,
        'frequency_ranges': frequency_ranges,
        'instrument_properties': instrument_properties,
        'W': W,
        'b': b,
    }


def reference(instrument_indices, embedding_table, frequency_ranges, instrument_properties, W, b):
    # nn.Embedding lookup
    embeddings = jnp.take(embedding_table, instrument_indices, axis=0)
    # buffer gathers
    freq_features = jnp.take(frequency_ranges, instrument_indices, axis=0)
    prop_features = jnp.take(instrument_properties, instrument_indices, axis=0)
    all_features = jnp.concatenate([freq_features, prop_features], axis=-1)
    # feature_projection: Linear(feat_dim, EMBED_DIM)
    feature_embeddings = jnp.dot(all_features, W) + b
    combined = embeddings + feature_embeddings
    # dropout is identity in eval mode
    return combined

if __name__ == "__main__":
    import jax
    _d = setup_inputs()
    print(jax.jit(kernel)(*tuple(_d.values())))

</pallas_src>

<mosaic_0001>
#map = affine_map<(d0, d1) -> (0, 0)>
#map1 = affine_map<(d0, d1) -> (0, 0, 0)>
module attributes {stable_mosaic.version = 14 : i64} {
  func.func @gather(%arg0: i32, %arg1: i32, %arg2: memref<17408x128xf32, #tpu.memory_space<hbm>>, %arg3: memref<32x200x128xi32, #tpu.memory_space<hbm>>, %arg4: memref<819200x128xf32, #tpu.memory_space<hbm>>, %arg5: memref<200x128xi32, #tpu.memory_space<vmem>>, %arg6: memref<128x128xf32, #tpu.memory_space<vmem>>, %arg7: memref<128x128xf32, #tpu.memory_space<vmem>>, %arg8: memref<128x128xf32, #tpu.memory_space<vmem>>, %arg9: memref<128x128xf32, #tpu.memory_space<vmem>>, %arg10: memref<128x128xf32, #tpu.memory_space<vmem>>, %arg11: memref<!tpu.dma_semaphore, #tpu.memory_space<semaphore_mem>>, %arg12: memref<!tpu.dma_semaphore, #tpu.memory_space<semaphore_mem>>, %arg13: memref<!tpu.dma_semaphore, #tpu.memory_space<semaphore_mem>>, %arg14: memref<!tpu.dma_semaphore, #tpu.memory_space<semaphore_mem>>, %arg15: memref<!tpu.dma_semaphore, #tpu.memory_space<semaphore_mem>>, %arg16: memref<!tpu.dma_semaphore, #tpu.memory_space<semaphore_mem>>, %arg17: memref<!tpu.dma_semaphore, #tpu.memory_space<semaphore_mem>>, %arg18: memref<!tpu.dma_semaphore, #tpu.memory_space<semaphore_mem>>, %arg19: memref<!tpu.dma_semaphore, #tpu.memory_space<semaphore_mem>>, %arg20: memref<!tpu.dma_semaphore, #tpu.memory_space<semaphore_mem>>) attributes {dimension_semantics = [#tpu.dimension_semantics<core_parallel>, #tpu.dimension_semantics<subcore_parallel>], iteration_bounds = array<i64: 2, 16>, scalar_prefetch = 0 : i64, scratch_operands = 16 : i64, tpu.core_type = #tpu.core_type<sc_vector_subcore>, window_params = [{transform_indices = #map}, {transform_indices = #map1}, {transform_indices = #map}]} {
    %mul3A = arith.constant 2 : i32
    %mul3A_0 = arith.muli %arg1, %mul3A : i32
    %add3A = arith.addi %mul3A_0, %arg0 : i32
    %mul3A_1 = arith.constant 200 : i32
    %mul3A_2 = arith.muli %add3A, %mul3A_1 : i32
    %mul3A_3 = arith.constant 128 : i32
    %mul3A_4 = arith.muli %mul3A_2, %mul3A_3 : i32
    "tpu.region"() ({
      %run_scoped3A = tpu.sem_alloc : memref<!tpu.dma_semaphore, #tpu.memory_space<semaphore_mem>>
      %dma_start3A_101 = arith.constant 0 : i32
      %dma_start3A_102 = arith.constant 0 : i32
      %dma_start3A_103 = tpu.memref_slice %arg3[%add3A, %dma_start3A_101, %dma_start3A_102] : memref<32x200x128xi32, #tpu.memory_space<hbm>> -> memref<1x200x128xi32, #tpu.memory_space<hbm>>
      %dma_start3A_104 = tpu.memref_squeeze %dma_start3A_103 : memref<1x200x128xi32, #tpu.memory_space<hbm>> -> memref<200x128xi32, #tpu.memory_space<hbm>>
      %dma_start3A_105 = arith.constant 0 : i32
      %dma_start3A_106 = arith.constant 0 : i32
      %dma_start3A_107 = tpu.memref_slice %arg3[%add3A, %dma_start3A_105, %dma_start3A_106] : memref<32x200x128xi32, #tpu.memory_space<hbm>> -> memref<1x200x128xi32, #tpu.memory_space<hbm>>
      %dma_start3A_108 = tpu.memref_squeeze %dma_start3A_107 : memref<1x200x128xi32, #tpu.memory_space<hbm>> -> memref<200x128xi32, #tpu.memory_space<hbm>>
      tpu.enqueue_dma source(%dma_start3A_108 : memref<200x128xi32, #tpu.memory_space<hbm>>) target(%arg5 : memref<200x128xi32, #tpu.memory_space<vmem>>) target_semaphore(%run_scoped3A : memref<!tpu.dma_semaphore, #tpu.memory_space<semaphore_mem>>)
      %dma_wait3A_109 = arith.constant 0 : i32
      %dma_wait3A_110 = arith.constant 0 : i32
      %dma_wait3A_111 = tpu.memref_slice %arg3[%add3A, %dma_wait3A_109, %dma_wait3A_110] : memref<32x200x128xi32, #tpu.memory_space<hbm>> -> memref<1x200x128xi32, #tpu.memory_space<hbm>>
      %dma_wait3A_112 = tpu.memref_squeeze %dma_wait3A_111 : memref<1x200x128xi32, #tpu.memory_space<hbm>> -> memref<200x128xi32, #tpu.memory_space<hbm>>
      %dma_wait3A_113 = arith.constant 0 : i32
      %dma_wait3A_114 = arith.constant 0 : i32
      %dma_wait3A_115 = tpu.memref_slice %arg3[%add3A, %dma_wait3A_113, %dma_wait3A_114] : memref<32x200x128xi32, #tpu.memory_space<hbm>> -> memref<1x200x128xi32, #tpu.memory_space<hbm>>
      %dma_wait3A_116 = tpu.memref_squeeze %dma_wait3A_115 : memref<1x200x128xi32, #tpu.memory_space<hbm>> -> memref<200x128xi32, #tpu.memory_space<hbm>>
      tpu.wait_dma2 semaphore(%run_scoped3A : memref<!tpu.dma_semaphore, #tpu.memory_space<semaphore_mem>>) src(%dma_wait3A_116 : memref<200x128xi32, #tpu.memory_space<hbm>>) dst(%arg5 : memref<200x128xi32, #tpu.memory_space<vmem>>)
      tpu.yield
    }) : () -> ()
    %mul3A_5 = arith.constant 4 : i32
    %mul3A_6 = arith.muli %mul3A_5, %add3A : i32
    %mul3A_7 = arith.constant 136 : i32
    %mul3A_8 = arith.muli %mul3A_6, %mul3A_7 : i32
    %iota3A = tpu.iota {dimensions = array<i32: 0>} : vector<16xi32>
    %jit3A = arith.constant 4 : i32
    %eq3A = arith.constant 0 : i32
    %eq3A_9 = arith.cmpi eq, %jit3A, %eq3A : i32
    %jit3A_10 = arith.constant 1 : i32
    %select_n3A = arith.select %eq3A_9, %jit3A_10, %jit3A : i32
    %rem3A = vector.broadcast %select_n3A : i32 to vector<16xi32>
    %rem3A_11 = arith.remsi %iota3A, %rem3A : vector<16xi32>
    %ne3A = arith.constant 0 : i32
    %ne3A_12 = vector.broadcast %ne3A : i32 to vector<16xi32>
    %ne3A_13 = arith.cmpi ne, %rem3A_11, %ne3A_12 : vector<16xi32>
    %lt3A = arith.constant 0 : i32
    %lt3A_14 = vector.broadcast %lt3A : i32 to vector<16xi32>
    %lt3A_15 = arith.cmpi slt, %rem3A_11, %lt3A_14 : vector<16xi32>
    %lt3A_16 = arith.constant 0 : i32
    %lt3A_17 = arith.cmpi slt, %select_n3A, %lt3A_16 : i32
    %ne3A_18 = vector.broadcast %lt3A_17 : i1 to vector<16xi1>
    %ne3A_19 = vector.broadcast %ne3A_18 : vector<16xi1> to vector<16xi1>
    %ne3A_20 = arith.xori %lt3A_15, %ne3A_19 : vector<16xi1>
    %and3A = arith.andi %ne3A_20, %ne3A_13 : vector<16xi1>
    %add3A_21 = vector.broadcast %select_n3A : i32 to vector<16xi32>
    %add3A_22 = arith.addi %rem3A_11, %add3A_21 : vector<16xi32>
    %select_n3A_23 = arith.select %and3A, %add3A_22, %rem3A_11 : vector<16xi1>, vector<16xi32>
    %mul3A_24 = arith.constant 136 : i32
    %mul3A_25 = vector.broadcast %mul3A_24 : i32 to vector<16xi32>
    %mul3A_26 = arith.muli %select_n3A_23, %mul3A_25 : vector<16xi32>
    %add3A_27 = vector.broadcast %mul3A_8 : i32 to vector<16xi32>
    %add3A_28 = arith.addi %add3A_27, %mul3A_26 : vector<16xi32>
    %scan3A = arith.constant 0 : i32
    %scan3A_29 = arith.constant 200 : i32
    %scan3A_30 = arith.addi %scan3A, %scan3A_29 : i32
    %scan3A_31 = arith.constant 1 : i32
    scf.for %scan3A_101 = %scan3A to %scan3A_30 step %scan3A_31  : i32 {
      %mul3A_102 = arith.constant 1 : i32
      %mul3A_103 = arith.muli %scan3A_101, %mul3A_102 : i32
      %add3A_104 = arith.constant 0 : i32
      %add3A_105 = arith.addi %add3A_104, %mul3A_103 : i32
      %get3A = arith.index_cast %add3A_105 : i32 to index
      %get3A_106 = arith.constant 0 : index
      %get3A_107 = tpu.vector_load %arg5[%get3A, %get3A_106] {strides = array<i32>} : memref<200x128xi32, #tpu.memory_space<vmem>>, vector<1x16xi32>,
      %get3A_108 = vector.shape_cast %get3A_107 : vector<1x16xi32> to vector<16xi32>
      %add3A_109 = arith.addi %get3A_108, %add3A_28 : vector<16xi32>
      %swap3A = arith.index_cast %add3A_105 : i32 to index
      %swap3A_110 = arith.constant 0 : index
      %swap3A_111 = tpu.vector_load %arg5[%swap3A, %swap3A_110] {strides = array<i32>} : memref<200x128xi32, #tpu.memory_space<vmem>>, vector<1x16xi32>,
      %swap3A_112 = vector.shape_cast %swap3A_111 : vector<1x16xi32> to vector<16xi32>
      %swap3A_113 = vector.shape_cast %add3A_109 : vector<16xi32> to vector<1x16xi32>
      tpu.vector_store %arg5[%swap3A, %swap3A_110], %swap3A_113 {strides = array<i32>} : memref<200x128xi32, #tpu.memory_space<vmem>>, vector<1x16xi32>,
      %get3A_114 = arith.index_cast %add3A_105 : i32 to index
      %get3A_115 = arith.constant 16 : index
      %get3A_116 = tpu.vector_load %arg5[%get3A_114, %get3A_115] {strides = array<i32>} : memref<200x128xi32, #tpu.memory_space<vmem>>, vector<1x16xi32>,
      %get3A_117 = vector.shape_cast %get3A_116 : vector<1x16xi32> to vector<16xi32>
      %add3A_118 = arith.addi %get3A_117, %add3A_28 : vector<16xi32>
      %swap3A_119 = arith.index_cast %add3A_105 : i32 to index
      %swap3A_120 = arith.constant 16 : index
      %swap3A_121 = tpu.vector_load %arg5[%swap3A_119, %swap3A_120] {strides = array<i32>} : memref<200x128xi32, #tpu.memory_space<vmem>>, vector<1x16xi32>,
      %swap3A_122 = vector.shape_cast %swap3A_121 : vector<1x16xi32> to vector<16xi32>
      %swap3A_123 = vector.shape_cast %add3A_118 : vector<16xi32> to vector<1x16xi32>
      tpu.vector_store %arg5[%swap3A_119, %swap3A_120], %swap3A_123 {strides = array<i32>} : memref<200x128xi32, #tpu.memory_space<vmem>>, vector<1x16xi32>,
      %get3A_124 = arith.index_cast %add3A_105 : i32 to index
      %get3A_125 = arith.constant 32 : index
      %get3A_126 = tpu.vector_load %arg5[%get3A_124, %get3A_125] {strides = array<i32>} : memref<200x128xi32, #tpu.memory_space<vmem>>, vector<1x16xi32>,
      %get3A_127 = vector.shape_cast %get3A_126 : vector<1x16xi32> to vector<16xi32>
      %add3A_128 = arith.addi %get3A_127, %add3A_28 : vector<16xi32>
      %swap3A_129 = arith.index_cast %add3A_105 : i32 to index
      %swap3A_130 = arith.constant 32 : index
      %swap3A_131 = tpu.vector_load %arg5[%swap3A_129, %swap3A_130] {strides = array<i32>} : memref<200x128xi32, #tpu.memory_space<vmem>>, vector<1x16xi32>,
      %swap3A_132 = vector.shape_cast %swap3A_131 : vector<1x16xi32> to vector<16xi32>
      %swap3A_133 = vector.shape_cast %add3A_128 : vector<16xi32> to vector<1x16xi32>
      tpu.vector_store %arg5[%swap3A_129, %swap3A_130], %swap3A_133 {strides = array<i32>} : memref<200x128xi32, #tpu.memory_space<vmem>>, vector<1x16xi32>,
      %get3A_134 = arith.index_cast %add3A_105 : i32 to index
      %get3A_135 = arith.constant 48 : index
      %get3A_136 = tpu.vector_load %arg5[%get3A_134, %get3A_135] {strides = array<i32>} : memref<200x128xi32, #tpu.memory_space<vmem>>, vector<1x16xi32>,
      %get3A_137 = vector.shape_cast %get3A_136 : vector<1x16xi32> to vector<16xi32>
      %add3A_138 = arith.addi %get3A_137, %add3A_28 : vector<16xi32>
      %swap3A_139 = arith.index_cast %add3A_105 : i32 to index
      %swap3A_140 = arith.constant 48 : index
      %swap3A_141 = tpu.vector_load %arg5[%swap3A_139, %swap3A_140] {strides = array<i32>} : memref<200x128xi32, #tpu.memory_space<vmem>>, vector<1x16xi32>,
      %swap3A_142 = vector.shape_cast %swap3A_141 : vector<1x16xi32> to vector<16xi32>
      %swap3A_143 = vector.shape_cast %add3A_138 : vector<16xi32> to vector<1x16xi32>
      tpu.vector_store %arg5[%swap3A_139, %swap3A_140], %swap3A_143 {strides = array<i32>} : memref<200x128xi32, #tpu.memory_space<vmem>>, vector<1x16xi32>,
      %get3A_144 = arith.index_cast %add3A_105 : i32 to index
      %get3A_145 = arith.constant 64 : index
      %get3A_146 = tpu.vector_load %arg5[%get3A_144, %get3A_145] {strides = array<i32>} : memref<200x128xi32, #tpu.memory_space<vmem>>, vector<1x16xi32>,
      %get3A_147 = vector.shape_cast %get3A_146 : vector<1x16xi32> to vector<16xi32>
      %add3A_148 = arith.addi %get3A_147, %add3A_28 : vector<16xi32>
      %swap3A_149 = arith.index_cast %add3A_105 : i32 to index
      %swap3A_150 = arith.constant 64 : index
      %swap3A_151 = tpu.vector_load %arg5[%swap3A_149, %swap3A_150] {strides = array<i32>} : memref<200x128xi32, #tpu.memory_space<vmem>>, vector<1x16xi32>,
      %swap3A_152 = vector.shape_cast %swap3A_151 : vector<1x16xi32> to vector<16xi32>
      %swap3A_153 = vector.shape_cast %add3A_148 : vector<16xi32> to vector<1x16xi32>
      tpu.vector_store %arg5[%swap3A_149, %swap3A_150], %swap3A_153 {strides = array<i32>} : memref<200x128xi32, #tpu.memory_space<vmem>>, vector<1x16xi32>,
      %get3A_154 = arith.index_cast %add3A_105 : i32 to index
      %get3A_155 = arith.constant 80 : index
      %get3A_156 = tpu.vector_load %arg5[%get3A_154, %get3A_155] {strides = array<i32>} : memref<200x128xi32, #tpu.memory_space<vmem>>, vector<1x16xi32>,
      %get3A_157 = vector.shape_cast %get3A_156 : vector<1x16xi32> to vector<16xi32>
      %add3A_158 = arith.addi %get3A_157, %add3A_28 : vector<16xi32>
      %swap3A_159 = arith.index_cast %add3A_105 : i32 to index
      %swap3A_160 = arith.constant 80 : index
      %swap3A_161 = tpu.vector_load %arg5[%swap3A_159, %swap3A_160] {strides = array<i32>} : memref<200x128xi32, #tpu.memory_space<vmem>>, vector<1x16xi32>,
      %swap3A_162 = vector.shape_cast %swap3A_161 : vector<1x16xi32> to vector<16xi32>
      %swap3A_163 = vector.shape_cast %add3A_158 : vector<16xi32> to vector<1x16xi32>
      tpu.vector_store %arg5[%swap3A_159, %swap3A_160], %swap3A_163 {strides = array<i32>} : memref<200x128xi32, #tpu.memory_space<vmem>>, vector<1x16xi32>,
      %get3A_164 = arith.index_cast %add3A_105 : i32 to index
      %get3A_165 = arith.constant 96 : index
      %get3A_166 = tpu.vector_load %arg5[%get3A_164, %get3A_165] {strides = array<i32>} : memref<200x128xi32, #tpu.memory_space<vmem>>, vector<1x16xi32>,
      %get3A_167 = vector.shape_cast %get3A_166 : vector<1x16xi32> to vector<16xi32>
      %add3A_168 = arith.addi %get3A_167, %add3A_28 : vector<16xi32>
      %swap3A_169 = arith.index_cast %add3A_105 : i32 to index
      %swap3A_170 = arith.constant 96 : index
      %swap3A_171 = tpu.vector_load %arg5[%swap3A_169, %swap3A_170] {strides = array<i32>} : memref<200x128xi32, #tpu.memory_space<vmem>>, vector<1x16xi32>,
      %swap3A_172 = vector.shape_cast %swap3A_171 : vector<1x16xi32> to vector<16xi32>
      %swap3A_173 = vector.shape_cast %add3A_168 : vector<16xi32> to vector<1x16xi32>
      tpu.vector_store %arg5[%swap3A_169, %swap3A_170], %swap3A_173 {strides = array<i32>} : memref<200x128xi32, #tpu.memory_space<vmem>>, vector<1x16xi32>,
      %get3A_174 = arith.index_cast %add3A_105 : i32 to index
      %get3A_175 = arith.constant 112 : index
      %get3A_176 = tpu.vector_load %arg5[%get3A_174, %get3A_175] {strides = array<i32>} : memref<200x128xi32, #tpu.memory_space<vmem>>, vector<1x16xi32>,
      %get3A_177 = vector.shape_cast %get3A_176 : vector<1x16xi32> to vector<16xi32>
      %add3A_178 = arith.addi %get3A_177, %add3A_28 : vector<16xi32>
      %swap3A_179 = arith.index_cast %add3A_105 : i32 to index
      %swap3A_180 = arith.constant 112 : index
      %swap3A_181 = tpu.vector_load %arg5[%swap3A_179, %swap3A_180] {strides = array<i32>} : memref<200x128xi32, #tpu.memory_space<vmem>>, vector<1x16xi32>,
      %swap3A_182 = vector.shape_cast %swap3A_181 : vector<1x16xi32> to vector<16xi32>
      %swap3A_183 = vector.shape_cast %add3A_178 : vector<16xi32> to vector<1x16xi32>
      tpu.vector_store %arg5[%swap3A_179, %swap3A_180], %swap3A_183 {strides = array<i32>} : memref<200x128xi32, #tpu.memory_space<vmem>>, vector<1x16xi32>,
    }
    %scan3A_32 = arith.constant 200 : i32
    %dma_start3A = arith.constant 0 : i32
    %dma_start3A_33 = arith.constant 0 : i32
    %dma_start3A_34 = tpu.memref_slice %arg5[%dma_start3A, %dma_start3A_33] : memref<200x128xi32, #tpu.memory_space<vmem>> -> memref<1x128xi32, #tpu.memory_space<vmem>>
    %dma_start3A_35 = tpu.memref_squeeze %dma_start3A_34 : memref<1x128xi32, #tpu.memory_space<vmem>> -> memref<128xi32, #tpu.memory_space<vmem>>
    %dma_start3A_36 = arith.constant 0 : i32
    %dma_start3A_37 = arith.constant 0 : i32
    %dma_start3A_38 = tpu.memref_slice %arg2[%dma_start3A_36, %dma_start3A_37] : memref<17408x128xf32, #tpu.memory_space<hbm>> -> memref<17408x128xf32, #tpu.memory_space<hbm>>
    tpu.enqueue_indirect_dma source(%dma_start3A_38 : memref<17408x128xf32, #tpu.memory_space<hbm>>) target(%arg6 : memref<128x128xf32, #tpu.memory_space<vmem>>) offsets(%dma_start3A_35 : memref<128xi32, #tpu.memory_space<vmem>>) semaphore(%arg11 : memref<!tpu.dma_semaphore, #tpu.memory_space<semaphore_mem>>)
    %dma_start3A_39 = arith.constant 1 : i32
    %dma_start3A_40 = arith.constant 0 : i32
    %dma_start3A_41 = tpu.memref_slice %arg5[%dma_start3A_39, %dma_start3A_40] : memref<200x128xi32, #tpu.memory_space<vmem>> -> memref<1x128xi32, #tpu.memory_space<vmem>>
    %dma_start3A_42 = tpu.memref_squeeze %dma_start3A_41 : memref<1x128xi32, #tpu.memory_space<vmem>> -> memref<128xi32, #tpu.memory_space<vmem>>
    %dma_start3A_43 = arith.constant 0 : i32
    %dma_start3A_44 = arith.constant 0 : i32
    %dma_start3A_45 = tpu.memref_slice %arg2[%dma_start3A_43, %dma_start3A_44] : memref<17408x128xf32, #tpu.memory_space<hbm>> -> memref<17408x128xf32, #tpu.memory_space<hbm>>
    tpu.enqueue_indirect_dma source(%dma_start3A_45 : memref<17408x128xf32, #tpu.memory_space<hbm>>) target(%arg7 : memref<128x128xf32, #tpu.memory_space<vmem>>) offsets(%dma_start3A_42 : memref<128xi32, #tpu.memory_space<vmem>>) semaphore(%arg12 : memref<!tpu.dma_semaphore, #tpu.memory_space<semaphore_mem>>)
    %dma_start3A_46 = arith.constant 2 : i32
    %dma_start3A_47 = arith.constant 0 : i32
    %dma_start3A_48 = tpu.memref_slice %arg5[%dma_start3A_46, %dma_start3A_47] : memref<200x128xi32, #tpu.memory_space<vmem>> -> memref<1x128xi32, #tpu.memory_space<vmem>>
    %dma_start3A_49 = tpu.memref_squeeze %dma_start3A_48 : memref<1x128xi32, #tpu.memory_space<vmem>> -> memref<128xi32, #tpu.memory_space<vmem>>
    %dma_start3A_50 = arith.constant 0 : i32
    %dma_start3A_51 = arith.constant 0 : i32
    %dma_start3A_52 = tpu.memref_slice %arg2[%dma_start3A_50, %dma_start3A_51] : memref<17408x128xf32, #tpu.memory_space<hbm>> -> memref<17408x128xf32, #tpu.memory_space<hbm>>
    tpu.enqueue_indirect_dma source(%dma_start3A_52 : memref<17408x128xf32, #tpu.memory_space<hbm>>) target(%arg8 : memref<128x128xf32, #tpu.memory_space<vmem>>) offsets(%dma_start3A_49 : memref<128xi32, #tpu.memory_space<vmem>>) semaphore(%arg13 : memref<!tpu.dma_semaphore, #tpu.memory_space<semaphore_mem>>)
    %dma_start3A_53 = arith.constant 3 : i32
    %dma_start3A_54 = arith.constant 0 : i32
    %dma_start3A_55 = tpu.memref_slice %arg5[%dma_start3A_53, %dma_start3A_54] : memref<200x128xi32, #tpu.memory_space<vmem>> -> memref<1x128xi32, #tpu.memory_space<vmem>>
    %dma_start3A_56 = tpu.memref_squeeze %dma_start3A_55 : memref<1x128xi32, #tpu.memory_space<vmem>> -> memref<128xi32, #tpu.memory_space<vmem>>
    %dma_start3A_57 = arith.constant 0 : i32
    %dma_start3A_58 = arith.constant 0 : i32
    %dma_start3A_59 = tpu.memref_slice %arg2[%dma_start3A_57, %dma_start3A_58] : memref<17408x128xf32, #tpu.memory_space<hbm>> -> memref<17408x128xf32, #tpu.memory_space<hbm>>
    tpu.enqueue_indirect_dma source(%dma_start3A_59 : memref<17408x128xf32, #tpu.memory_space<hbm>>) target(%arg9 : memref<128x128xf32, #tpu.memory_space<vmem>>) offsets(%dma_start3A_56 : memref<128xi32, #tpu.memory_space<vmem>>) semaphore(%arg14 : memref<!tpu.dma_semaphore, #tpu.memory_space<semaphore_mem>>)
    %dma_start3A_60 = arith.constant 4 : i32
    %dma_start3A_61 = arith.constant 0 : i32
    %dma_start3A_62 = tpu.memref_slice %arg5[%dma_start3A_60, %dma_start3A_61] : memref<200x128xi32, #tpu.memory_space<vmem>> -> memref<1x128xi32, #tpu.memory_space<vmem>>
    %dma_start3A_63 = tpu.memref_squeeze %dma_start3A_62 : memref<1x128xi32, #tpu.memory_space<vmem>> -> memref<128xi32, #tpu.memory_space<vmem>>
    %dma_start3A_64 = arith.constant 0 : i32
    %dma_start3A_65 = arith.constant 0 : i32
    %dma_start3A_66 = tpu.memref_slice %arg2[%dma_start3A_64, %dma_start3A_65] : memref<17408x128xf32, #tpu.memory_space<hbm>> -> memref<17408x128xf32, #tpu.memory_space<hbm>>
    tpu.enqueue_indirect_dma source(%dma_start3A_66 : memref<17408x128xf32, #tpu.memory_space<hbm>>) target(%arg10 : memref<128x128xf32, #tpu.memory_space<vmem>>) offsets(%dma_start3A_63 : memref<128xi32, #tpu.memory_space<vmem>>) semaphore(%arg15 : memref<!tpu.dma_semaphore, #tpu.memory_space<semaphore_mem>>)
    %scan3A_67 = arith.constant 0 : i32
    %scan3A_68 = arith.constant 40 : i32
    %scan3A_69 = arith.addi %scan3A_67, %scan3A_68 : i32
    %scan3A_70 = arith.constant 1 : i32
    scf.for %scan3A_101 = %scan3A_67 to %scan3A_69 step %scan3A_70  : i32 {
      %mul3A_102 = arith.constant 5 : i32
      %mul3A_103 = arith.muli %scan3A_101, %mul3A_102 : i32
      %add3A_104 = arith.constant 0 : i32
      %add3A_105 = arith.addi %add3A_104, %mul3A_103 : i32
      %add3A_106 = arith.constant 0 : i32
      %add3A_107 = arith.addi %add3A_105, %add3A_106 : i32
      %dma_wait3A_108 = arith.constant 0 : i32
      %dma_wait3A_109 = tpu.memref_slice %arg5[%add3A_107, %dma_wait3A_108] : memref<200x128xi32, #tpu.memory_space<vmem>> -> memref<1x128xi32, #tpu.memory_space<vmem>>
      %dma_wait3A_110 = tpu.memref_squeeze %dma_wait3A_109 : memref<1x128xi32, #tpu.memory_space<vmem>> -> memref<128xi32, #tpu.memory_space<vmem>>
      %dma_wait3A_111 = arith.constant 0 : i32
      %dma_wait3A_112 = arith.constant 0 : i32
      %dma_wait3A_113 = tpu.memref_slice %arg2[%dma_wait3A_111, %dma_wait3A_112] : memref<17408x128xf32, #tpu.memory_space<hbm>> -> memref<17408x128xf32, #tpu.memory_space<hbm>>
      tpu.wait_indirect_dma semaphore(%arg11 : memref<!tpu.dma_semaphore, #tpu.memory_space<semaphore_mem>>) src(%dma_wait3A_113 : memref<17408x128xf32, #tpu.memory_space<hbm>>) dst(%arg6 : memref<128x128xf32, #tpu.memory_space<vmem>>)
      %mul3A_114 = arith.constant 128 : i32
      %mul3A_115 = arith.muli %add3A_107, %mul3A_114 : i32
      %add3A_116 = arith.addi %mul3A_4, %mul3A_115 : i32
      %dma_start3A_117 = arith.constant 0 : i32
      %dma_start3A_118 = tpu.memref_slice %arg4[%add3A_116, %dma_start3A_117] : memref<819200x128xf32, #tpu.memory_space<hbm>> -> memref<128x128xf32, #tpu.memory_space<hbm>>
      %dma_start3A_119 = arith.constant 0 : i32
      %dma_start3A_120 = tpu.memref_slice %arg4[%add3A_116, %dma_start3A_119] : memref<819200x128xf32, #tpu.memory_space<hbm>> -> memref<128x128xf32, #tpu.memory_space<hbm>>
      tpu.enqueue_dma source(%arg6 : memref<128x128xf32, #tpu.memory_space<vmem>>) target(%dma_start3A_120 : memref<128x128xf32, #tpu.memory_space<hbm>>) target_semaphore(%arg16 : memref<!tpu.dma_semaphore, #tpu.memory_space<semaphore_mem>>)
      %add3A_121 = arith.constant 5 : i32
      %add3A_122 = arith.addi %add3A_107, %add3A_121 : i32
      %lt3A_123 = arith.constant 200 : i32
      %lt3A_124 = arith.cmpi slt, %add3A_122, %lt3A_123 : i32
      %convert_element_type3A = arith.extui %lt3A_124 : i1 to i32
      %cond3A = arith.constant 0 : i32
      %cond3A_125 = arith.cmpi ne, %convert_element_type3A, %cond3A : i32
      scf.if %cond3A_125 {
        %mul3A_214 = arith.constant 128 : i32
        %mul3A_215 = arith.muli %add3A_107, %mul3A_214 : i32
        %add3A_216 = arith.addi %mul3A_4, %mul3A_215 : i32
        %dma_wait3A_217 = arith.constant 0 : i32
        %dma_wait3A_218 = tpu.memref_slice %arg4[%add3A_216, %dma_wait3A_217] : memref<819200x128xf32, #tpu.memory_space<hbm>> -> memref<128x128xf32, #tpu.memory_space<hbm>>
        %dma_wait3A_219 = arith.constant 0 : i32
        %dma_wait3A_220 = tpu.memref_slice %arg4[%add3A_216, %dma_wait3A_219] : memref<819200x128xf32, #tpu.memory_space<hbm>> -> memref<128x128xf32, #tpu.memory_space<hbm>>
        tpu.wait_dma2 semaphore(%arg16 : memref<!tpu.dma_semaphore, #tpu.memory_space<semaphore_mem>>) src(%arg6 : memref<128x128xf32, #tpu.memory_space<vmem>>) dst(%dma_wait3A_220 : memref<128x128xf32, #tpu.memory_space<hbm>>)
        %add3A_221 = arith.constant 5 : i32
        %add3A_222 = arith.addi %add3A_107, %add3A_221 : i32
        %dma_start3A_223 = arith.constant 0 : i32
        %dma_start3A_224 = tpu.memref_slice %arg5[%add3A_222, %dma_start3A_223] : memref<200x128xi32, #tpu.memory_space<vmem>> -> memref<1x128xi32, #tpu.memory_space<vmem>>
        %dma_start3A_225 = tpu.memref_squeeze %dma_start3A_224 : memref<1x128xi32, #tpu.memory_space<vmem>> -> memref<128xi32, #tpu.memory_space<vmem>>
        %dma_start3A_226 = arith.constant 0 : i32
        %dma_start3A_227 = arith.constant 0 : i32
        %dma_start3A_228 = tpu.memref_slice %arg2[%dma_start3A_226, %dma_start3A_227] : memref<17408x128xf32, #tpu.memory_space<hbm>> -> memref<17408x128xf32, #tpu.memory_space<hbm>>
        tpu.enqueue_indirect_dma source(%dma_start3A_228 : memref<17408x128xf32, #tpu.memory_space<hbm>>) target(%arg6 : memref<128x128xf32, #tpu.memory_space<vmem>>) offsets(%dma_start3A_225 : memref<128xi32, #tpu.memory_space<vmem>>) semaphore(%arg11 : memref<!tpu.dma_semaphore, #tpu.memory_space<semaphore_mem>>)
      } else {
      }
      %add3A_126 = arith.constant 1 : i32
      %add3A_127 = arith.addi %add3A_105, %add3A_126 : i32
      %dma_wait3A_128 = arith.constant 0 : i32
      %dma_wait3A_129 = tpu.memref_slice %arg5[%add3A_127, %dma_wait3A_128] : memref<200x128xi32, #tpu.memory_space<vmem>> -> memref<1x128xi32, #tpu.memory_space<vmem>>
      %dma_wait3A_130 = tpu.memref_squeeze %dma_wait3A_129 : memref<1x128xi32, #tpu.memory_space<vmem>> -> memref<128xi32, #tpu.memory_space<vmem>>
      %dma_wait3A_131 = arith.constant 0 : i32
      %dma_wait3A_132 = arith.constant 0 : i32
      %dma_wait3A_133 = tpu.memref_slice %arg2[%dma_wait3A_131, %dma_wait3A_132] : memref<17408x128xf32, #tpu.memory_space<hbm>> -> memref<17408x128xf32, #tpu.memory_space<hbm>>
      tpu.wait_indirect_dma semaphore(%arg12 : memref<!tpu.dma_semaphore, #tpu.memory_space<semaphore_mem>>) src(%dma_wait3A_133 : memref<17408x128xf32, #tpu.memory_space<hbm>>) dst(%arg7 : memref<128x128xf32, #tpu.memory_space<vmem>>)
      %mul3A_134 = arith.constant 128 : i32
      %mul3A_135 = arith.muli %add3A_127, %mul3A_134 : i32
      %add3A_136 = arith.addi %mul3A_4, %mul3A_135 : i32
      %dma_start3A_137 = arith.constant 0 : i32
      %dma_start3A_138 = tpu.memref_slice %arg4[%add3A_136, %dma_start3A_137] : memref<819200x128xf32, #tpu.memory_space<hbm>> -> memref<128x128xf32, #tpu.memory_space<hbm>>
      %dma_start3A_139 = arith.constant 0 : i32
      %dma_start3A_140 = tpu.memref_slice %arg4[%add3A_136, %dma_start3A_139] : memref<819200x128xf32, #tpu.memory_space<hbm>> -> memref<128x128xf32, #tpu.memory_space<hbm>>
      tpu.enqueue_dma source(%arg7 : memref<128x128xf32, #tpu.memory_space<vmem>>) target(%dma_start3A_140 : memref<128x128xf32, #tpu.memory_space<hbm>>) target_semaphore(%arg17 : memref<!tpu.dma_semaphore, #tpu.memory_space<semaphore_mem>>)
      %add3A_141 = arith.constant 5 : i32
      %add3A_142 = arith.addi %add3A_127, %add3A_141 : i32
      %lt3A_143 = arith.constant 200 : i32
      %lt3A_144 = arith.cmpi slt, %add3A_142, %lt3A_143 : i32
      %convert_element_type3A_145 = arith.extui %lt3A_144 : i1 to i32
      %cond3A_146 = arith.constant 0 : i32
      %cond3A_147 = arith.cmpi ne, %convert_element_type3A_145, %cond3A_146 : i32
      scf.if %cond3A_147 {
        %mul3A_214 = arith.constant 128 : i32
        %mul3A_215 = arith.muli %add3A_127, %mul3A_214 : i32
        %add3A_216 = arith.addi %mul3A_4, %mul3A_215 : i32
        %dma_wait3A_217 = arith.constant 0 : i32
        %dma_wait3A_218 = tpu.memref_slice %arg4[%add3A_216, %dma_wait3A_217] : memref<819200x128xf32, #tpu.memory_space<hbm>> -> memref<128x128xf32, #tpu.memory_space<hbm>>
        %dma_wait3A_219 = arith.constant 0 : i32
        %dma_wait3A_220 = tpu.memref_slice %arg4[%add3A_216, %dma_wait3A_219] : memref<819200x128xf32, #tpu.memory_space<hbm>> -> memref<128x128xf32, #tpu.memory_space<hbm>>
        tpu.wait_dma2 semaphore(%arg17 : memref<!tpu.dma_semaphore, #tpu.memory_space<semaphore_mem>>) src(%arg7 : memref<128x128xf32, #tpu.memory_space<vmem>>) dst(%dma_wait3A_220 : memref<128x128xf32, #tpu.memory_space<hbm>>)
        %add3A_221 = arith.constant 5 : i32
        %add3A_222 = arith.addi %add3A_127, %add3A_221 : i32
        %dma_start3A_223 = arith.constant 0 : i32
        %dma_start3A_224 = tpu.memref_slice %arg5[%add3A_222, %dma_start3A_223] : memref<200x128xi32, #tpu.memory_space<vmem>> -> memref<1x128xi32, #tpu.memory_space<vmem>>
        %dma_start3A_225 = tpu.memref_squeeze %dma_start3A_224 : memref<1x128xi32, #tpu.memory_space<vmem>> -> memref<128xi32, #tpu.memory_space<vmem>>
        %dma_start3A_226 = arith.constant 0 : i32
        %dma_start3A_227 = arith.constant 0 : i32
        %dma_start3A_228 = tpu.memref_slice %arg2[%dma_start3A_226, %dma_start3A_227] : memref<17408x128xf32, #tpu.memory_space<hbm>> -> memref<17408x128xf32, #tpu.memory_space<hbm>>
        tpu.enqueue_indirect_dma source(%dma_start3A_228 : memref<17408x128xf32, #tpu.memory_space<hbm>>) target(%arg7 : memref<128x128xf32, #tpu.memory_space<vmem>>) offsets(%dma_start3A_225 : memref<128xi32, #tpu.memory_space<vmem>>) semaphore(%arg12 : memref<!tpu.dma_semaphore, #tpu.memory_space<semaphore_mem>>)
      } else {
      }
      %add3A_148 = arith.constant 2 : i32
      %add3A_149 = arith.addi %add3A_105, %add3A_148 : i32
      %dma_wait3A_150 = arith.constant 0 : i32
      %dma_wait3A_151 = tpu.memref_slice %arg5[%add3A_149, %dma_wait3A_150] : memref<200x128xi32, #tpu.memory_space<vmem>> -> memref<1x128xi32, #tpu.memory_space<vmem>>
      %dma_wait3A_152 = tpu.memref_squeeze %dma_wait3A_151 : memref<1x128xi32, #tpu.memory_space<vmem>> -> memref<128xi32, #tpu.memory_space<vmem>>
      %dma_wait3A_153 = arith.constant 0 : i32
      %dma_wait3A_154 = arith.constant 0 : i32
      %dma_wait3A_155 = tpu.memref_slice %arg2[%dma_wait3A_153, %dma_wait3A_154] : memref<17408x128xf32, #tpu.memory_space<hbm>> -> memref<17408x128xf32, #tpu.memory_space<hbm>>
      tpu.wait_indirect_dma semaphore(%arg13 : memref<!tpu.dma_semaphore, #tpu.memory_space<semaphore_mem>>) src(%dma_wait3A_155 : memref<17408x128xf32, #tpu.memory_space<hbm>>) dst(%arg8 : memref<128x128xf32, #tpu.memory_space<vmem>>)
      %mul3A_156 = arith.constant 128 : i32
      %mul3A_157 = arith.muli %add3A_149, %mul3A_156 : i32
      %add3A_158 = arith.addi %mul3A_4, %mul3A_157 : i32
      %dma_start3A_159 = arith.constant 0 : i32
      %dma_start3A_160 = tpu.memref_slice %arg4[%add3A_158, %dma_start3A_159] : memref<819200x128xf32, #tpu.memory_space<hbm>> -> memref<128x128xf32, #tpu.memory_space<hbm>>
      %dma_start3A_161 = arith.constant 0 : i32
      %dma_start3A_162 = tpu.memref_slice %arg4[%add3A_158, %dma_start3A_161] : memref<819200x128xf32, #tpu.memory_space<hbm>> -> memref<128x128xf32, #tpu.memory_space<hbm>>
      tpu.enqueue_dma source(%arg8 : memref<128x128xf32, #tpu.memory_space<vmem>>) target(%dma_start3A_162 : memref<128x128xf32, #tpu.memory_space<hbm>>) target_semaphore(%arg18 : memref<!tpu.dma_semaphore, #tpu.memory_space<semaphore_mem>>)
      %add3A_163 = arith.constant 5 : i32
      %add3A_164 = arith.addi %add3A_149, %add3A_163 : i32
      %lt3A_165 = arith.constant 200 : i32
      %lt3A_166 = arith.cmpi slt, %add3A_164, %lt3A_165 : i32
      %convert_element_type3A_167 = arith.extui %lt3A_166 : i1 to i32
      %cond3A_168 = arith.constant 0 : i32
      %cond3A_169 = arith.cmpi ne, %convert_element_type3A_167, %cond3A_168 : i32
      scf.if %cond3A_169 {
        %mul3A_214 = arith.constant 128 : i32
        %mul3A_215 = arith.muli %add3A_149, %mul3A_214 : i32
        %add3A_216 = arith.addi %mul3A_4, %mul3A_215 : i32
        %dma_wait3A_217 = arith.constant 0 : i32
        %dma_wait3A_218 = tpu.memref_slice %arg4[%add3A_216, %dma_wait3A_217] : memref<819200x128xf32, #tpu.memory_space<hbm>> -> memref<128x128xf32, #tpu.memory_space<hbm>>
        %dma_wait3A_219 = arith.constant 0 : i32
        %dma_wait3A_220 = tpu.memref_slice %arg4[%add3A_216, %dma_wait3A_219] : memref<819200x128xf32, #tpu.memory_space<hbm>> -> memref<128x128xf32, #tpu.memory_space<hbm>>
        tpu.wait_dma2 semaphore(%arg18 : memref<!tpu.dma_semaphore, #tpu.memory_space<semaphore_mem>>) src(%arg8 : memref<128x128xf32, #tpu.memory_space<vmem>>) dst(%dma_wait3A_220 : memref<128x128xf32, #tpu.memory_space<hbm>>)
        %add3A_221 = arith.constant 5 : i32
        %add3A_222 = arith.addi %add3A_149, %add3A_221 : i32
        %dma_start3A_223 = arith.constant 0 : i32
        %dma_start3A_224 = tpu.memref_slice %arg5[%add3A_222, %dma_start3A_223] : memref<200x128xi32, #tpu.memory_space<vmem>> -> memref<1x128xi32, #tpu.memory_space<vmem>>
        %dma_start3A_225 = tpu.memref_squeeze %dma_start3A_224 : memref<1x128xi32, #tpu.memory_space<vmem>> -> memref<128xi32, #tpu.memory_space<vmem>>
        %dma_start3A_226 = arith.constant 0 : i32
        %dma_start3A_227 = arith.constant 0 : i32
        %dma_start3A_228 = tpu.memref_slice %arg2[%dma_start3A_226, %dma_start3A_227] : memref<17408x128xf32, #tpu.memory_space<hbm>> -> memref<17408x128xf32, #tpu.memory_space<hbm>>
        tpu.enqueue_indirect_dma source(%dma_start3A_228 : memref<17408x128xf32, #tpu.memory_space<hbm>>) target(%arg8 : memref<128x128xf32, #tpu.memory_space<vmem>>) offsets(%dma_start3A_225 : memref<128xi32, #tpu.memory_space<vmem>>) semaphore(%arg13 : memref<!tpu.dma_semaphore, #tpu.memory_space<semaphore_mem>>)
      } else {
      }
      %add3A_170 = arith.constant 3 : i32
      %add3A_171 = arith.addi %add3A_105, %add3A_170 : i32
      %dma_wait3A_172 = arith.constant 0 : i32
      %dma_wait3A_173 = tpu.memref_slice %arg5[%add3A_171, %dma_wait3A_172] : memref<200x128xi32, #tpu.memory_space<vmem>> -> memref<1x128xi32, #tpu.memory_space<vmem>>
      %dma_wait3A_174 = tpu.memref_squeeze %dma_wait3A_173 : memref<1x128xi32, #tpu.memory_space<vmem>> -> memref<128xi32, #tpu.memory_space<vmem>>
      %dma_wait3A_175 = arith.constant 0 : i32
      %dma_wait3A_176 = arith.constant 0 : i32
      %dma_wait3A_177 = tpu.memref_slice %arg2[%dma_wait3A_175, %dma_wait3A_176] : memref<17408x128xf32, #tpu.memory_space<hbm>> -> memref<17408x128xf32, #tpu.memory_space<hbm>>
      tpu.wait_indirect_dma semaphore(%arg14 : memref<!tpu.dma_semaphore, #tpu.memory_space<semaphore_mem>>) src(%dma_wait3A_177 : memref<17408x128xf32, #tpu.memory_space<hbm>>) dst(%arg9 : memref<128x128xf32, #tpu.memory_space<vmem>>)
      %mul3A_178 = arith.constant 128 : i32
      %mul3A_179 = arith.muli %add3A_171, %mul3A_178 : i32
      %add3A_180 = arith.addi %mul3A_4, %mul3A_179 : i32
      %dma_start3A_181 = arith.constant 0 : i32
      %dma_start3A_182 = tpu.memref_slice %arg4[%add3A_180, %dma_start3A_181] : memref<819200x128xf32, #tpu.memory_space<hbm>> -> memref<128x128xf32, #tpu.memory_space<hbm>>
      %dma_start3A_183 = arith.constant 0 : i32
      %dma_start3A_184 = tpu.memref_slice %arg4[%add3A_180, %dma_start3A_183] : memref<819200x128xf32, #tpu.memory_space<hbm>> -> memref<128x128xf32, #tpu.memory_space<hbm>>
      tpu.enqueue_dma source(%arg9 : memref<128x128xf32, #tpu.memory_space<vmem>>) target(%dma_start3A_184 : memref<128x128xf32, #tpu.memory_space<hbm>>) target_semaphore(%arg19 : memref<!tpu.dma_semaphore, #tpu.memory_space<semaphore_mem>>)
      %add3A_185 = arith.constant 5 : i32
      %add3A_186 = arith.addi %add3A_171, %add3A_185 : i32
      %lt3A_187 = arith.constant 200 : i32
      %lt3A_188 = arith.cmpi slt, %add3A_186, %lt3A_187 : i32
      %convert_element_type3A_189 = arith.extui %lt3A_188 : i1 to i32
      %cond3A_190 = arith.constant 0 : i32
      %cond3A_191 = arith.cmpi ne, %convert_element_type3A_189, %cond3A_190 : i32
      scf.if %cond3A_191 {
        %mul3A_214 = arith.constant 128 : i32
        %mul3A_215 = arith.muli %add3A_171, %mul3A_214 : i32
        %add3A_216 = arith.addi %mul3A_4, %mul3A_215 : i32
        %dma_wait3A_217 = arith.constant 0 : i32
        %dma_wait3A_218 = tpu.memref_slice %arg4[%add3A_216, %dma_wait3A_217] : memref<819200x128xf32, #tpu.memory_space<hbm>> -> memref<128x128xf32, #tpu.memory_space<hbm>>
        %dma_wait3A_219 = arith.constant 0 : i32
        %dma_wait3A_220 = tpu.memref_slice %arg4[%add3A_216, %dma_wait3A_219] : memref<819200x128xf32, #tpu.memory_space<hbm>> -> memref<128x128xf32, #tpu.memory_space<hbm>>
        tpu.wait_dma2 semaphore(%arg19 : memref<!tpu.dma_semaphore, #tpu.memory_space<semaphore_mem>>) src(%arg9 : memref<128x128xf32, #tpu.memory_space<vmem>>) dst(%dma_wait3A_220 : memref<128x128xf32, #tpu.memory_space<hbm>>)
        %add3A_221 = arith.constant 5 : i32
        %add3A_222 = arith.addi %add3A_171, %add3A_221 : i32
        %dma_start3A_223 = arith.constant 0 : i32
        %dma_start3A_224 = tpu.memref_slice %arg5[%add3A_222, %dma_start3A_223] : memref<200x128xi32, #tpu.memory_space<vmem>> -> memref<1x128xi32, #tpu.memory_space<vmem>>
        %dma_start3A_225 = tpu.memref_squeeze %dma_start3A_224 : memref<1x128xi32, #tpu.memory_space<vmem>> -> memref<128xi32, #tpu.memory_space<vmem>>
        %dma_start3A_226 = arith.constant 0 : i32
        %dma_start3A_227 = arith.constant 0 : i32
        %dma_start3A_228 = tpu.memref_slice %arg2[%dma_start3A_226, %dma_start3A_227] : memref<17408x128xf32, #tpu.memory_space<hbm>> -> memref<17408x128xf32, #tpu.memory_space<hbm>>
        tpu.enqueue_indirect_dma source(%dma_start3A_228 : memref<17408x128xf32, #tpu.memory_space<hbm>>) target(%arg9 : memref<128x128xf32, #tpu.memory_space<vmem>>) offsets(%dma_start3A_225 : memref<128xi32, #tpu.memory_space<vmem>>) semaphore(%arg14 : memref<!tpu.dma_semaphore, #tpu.memory_space<semaphore_mem>>)
      } else {
      }
      %add3A_192 = arith.constant 4 : i32
      %add3A_193 = arith.addi %add3A_105, %add3A_192 : i32
      %dma_wait3A_194 = arith.constant 0 : i32
      %dma_wait3A_195 = tpu.memref_slice %arg5[%add3A_193, %dma_wait3A_194] : memref<200x128xi32, #tpu.memory_space<vmem>> -> memref<1x128xi32, #tpu.memory_space<vmem>>
      %dma_wait3A_196 = tpu.memref_squeeze %dma_wait3A_195 : memref<1x128xi32, #tpu.memory_space<vmem>> -> memref<128xi32, #tpu.memory_space<vmem>>
      %dma_wait3A_197 = arith.constant 0 : i32
      %dma_wait3A_198 = arith.constant 0 : i32
      %dma_wait3A_199 = tpu.memref_slice %arg2[%dma_wait3A_197, %dma_wait3A_198] : memref<17408x128xf32, #tpu.memory_space<hbm>> -> memref<17408x128xf32, #tpu.memory_space<hbm>>
      tpu.wait_indirect_dma semaphore(%arg15 : memref<!tpu.dma_semaphore, #tpu.memory_space<semaphore_mem>>) src(%dma_wait3A_199 : memref<17408x128xf32, #tpu.memory_space<hbm>>) dst(%arg10 : memref<128x128xf32, #tpu.memory_space<vmem>>)
      %mul3A_200 = arith.constant 128 : i32
      %mul3A_201 = arith.muli %add3A_193, %mul3A_200 : i32
      %add3A_202 = arith.addi %mul3A_4, %mul3A_201 : i32
      %dma_start3A_203 = arith.constant 0 : i32
      %dma_start3A_204 = tpu.memref_slice %arg4[%add3A_202, %dma_start3A_203] : memref<819200x128xf32, #tpu.memory_space<hbm>> -> memref<128x128xf32, #tpu.memory_space<hbm>>
      %dma_start3A_205 = arith.constant 0 : i32
      %dma_start3A_206 = tpu.memref_slice %arg4[%add3A_202, %dma_start3A_205] : memref<819200x128xf32, #tpu.memory_space<hbm>> -> memref<128x128xf32, #tpu.memory_space<hbm>>
      tpu.enqueue_dma source(%arg10 : memref<128x128xf32, #tpu.memory_space<vmem>>) target(%dma_start3A_206 : memref<128x128xf32, #tpu.memory_space<hbm>>) target_semaphore(%arg20 : memref<!tpu.dma_semaphore, #tpu.memory_space<semaphore_mem>>)
      %add3A_207 = arith.constant 5 : i32
      %add3A_208 = arith.addi %add3A_193, %add3A_207 : i32
      %lt3A_209 = arith.constant 200 : i32
      %lt3A_210 = arith.cmpi slt, %add3A_208, %lt3A_209 : i32
      %convert_element_type3A_211 = arith.extui %lt3A_210 : i1 to i32
      %cond3A_212 = arith.constant 0 : i32
      %cond3A_213 = arith.cmpi ne, %convert_element_type3A_211, %cond3A_212 : i32
      scf.if %cond3A_213 {
        %mul3A_214 = arith.constant 128 : i32
        %mul3A_215 = arith.muli %add3A_193, %mul3A_214 : i32
        %add3A_216 = arith.addi %mul3A_4, %mul3A_215 : i32
        %dma_wait3A_217 = arith.constant 0 : i32
        %dma_wait3A_218 = tpu.memref_slice %arg4[%add3A_216, %dma_wait3A_217] : memref<819200x128xf32, #tpu.memory_space<hbm>> -> memref<128x128xf32, #tpu.memory_space<hbm>>
        %dma_wait3A_219 = arith.constant 0 : i32
        %dma_wait3A_220 = tpu.memref_slice %arg4[%add3A_216, %dma_wait3A_219] : memref<819200x128xf32, #tpu.memory_space<hbm>> -> memref<128x128xf32, #tpu.memory_space<hbm>>
        tpu.wait_dma2 semaphore(%arg20 : memref<!tpu.dma_semaphore, #tpu.memory_space<semaphore_mem>>) src(%arg10 : memref<128x128xf32, #tpu.memory_space<vmem>>) dst(%dma_wait3A_220 : memref<128x128xf32, #tpu.memory_space<hbm>>)
        %add3A_221 = arith.constant 5 : i32
        %add3A_222 = arith.addi %add3A_193, %add3A_221 : i32
        %dma_start3A_223 = arith.constant 0 : i32
        %dma_start3A_224 = tpu.memref_slice %arg5[%add3A_222, %dma_start3A_223] : memref<200x128xi32, #tpu.memory_space<vmem>> -> memref<1x128xi32, #tpu.memory_space<vmem>>
        %dma_start3A_225 = tpu.memref_squeeze %dma_start3A_224 : memref<1x128xi32, #tpu.memory_space<vmem>> -> memref<128xi32, #tpu.memory_space<vmem>>
        %dma_start3A_226 = arith.constant 0 : i32
        %dma_start3A_227 = arith.constant 0 : i32
        %dma_start3A_228 = tpu.memref_slice %arg2[%dma_start3A_226, %dma_start3A_227] : memref<17408x128xf32, #tpu.memory_space<hbm>> -> memref<17408x128xf32, #tpu.memory_space<hbm>>
        tpu.enqueue_indirect_dma source(%dma_start3A_228 : memref<17408x128xf32, #tpu.memory_space<hbm>>) target(%arg10 : memref<128x128xf32, #tpu.memory_space<vmem>>) offsets(%dma_start3A_225 : memref<128xi32, #tpu.memory_space<vmem>>) semaphore(%arg15 : memref<!tpu.dma_semaphore, #tpu.memory_space<semaphore_mem>>)
      } else {
      }
    }
    %scan3A_71 = arith.constant 40 : i32
    %add3A_72 = arith.constant 24960 : i32
    %add3A_73 = arith.addi %mul3A_4, %add3A_72 : i32
    %dma_wait3A = arith.constant 0 : i32
    %dma_wait3A_74 = tpu.memref_slice %arg4[%add3A_73, %dma_wait3A] : memref<819200x128xf32, #tpu.memory_space<hbm>> -> memref<128x128xf32, #tpu.memory_space<hbm>>
    %dma_wait3A_75 = arith.constant 0 : i32
    %dma_wait3A_76 = tpu.memref_slice %arg4[%add3A_73, %dma_wait3A_75] : memref<819200x128xf32, #tpu.memory_space<hbm>> -> memref<128x128xf32, #tpu.memory_space<hbm>>
    tpu.wait_dma2 semaphore(%arg16 : memref<!tpu.dma_semaphore, #tpu.memory_space<semaphore_mem>>) src(%arg6 : memref<128x128xf32, #tpu.memory_space<vmem>>) dst(%dma_wait3A_76 : memref<128x128xf32, #tpu.memory_space<hbm>>)
    %add3A_77 = arith.constant 25088 : i32
    %add3A_78 = arith.addi %mul3A_4, %add3A_77 : i32
    %dma_wait3A_79 = arith.constant 0 : i32
    %dma_wait3A_80 = tpu.memref_slice %arg4[%add3A_78, %dma_wait3A_79] : memref<819200x128xf32, #tpu.memory_space<hbm>> -> memref<128x128xf32, #tpu.memory_space<hbm>>
    %dma_wait3A_81 = arith.constant 0 : i32
    %dma_wait3A_82 = tpu.memref_slice %arg4[%add3A_78, %dma_wait3A_81] : memref<819200x128xf32, #tpu.memory_space<hbm>> -> memref<128x128xf32, #tpu.memory_space<hbm>>
    tpu.wait_dma2 semaphore(%arg17 : memref<!tpu.dma_semaphore, #tpu.memory_space<semaphore_mem>>) src(%arg7 : memref<128x128xf32, #tpu.memory_space<vmem>>) dst(%dma_wait3A_82 : memref<128x128xf32, #tpu.memory_space<hbm>>)
    %add3A_83 = arith.constant 25216 : i32
    %add3A_84 = arith.addi %mul3A_4, %add3A_83 : i32
    %dma_wait3A_85 = arith.constant 0 : i32
    %dma_wait3A_86 = tpu.memref_slice %arg4[%add3A_84, %dma_wait3A_85] : memref<819200x128xf32, #tpu.memory_space<hbm>> -> memref<128x128xf32, #tpu.memory_space<hbm>>
    %dma_wait3A_87 = arith.constant 0 : i32
    %dma_wait3A_88 = tpu.memref_slice %arg4[%add3A_84, %dma_wait3A_87] : memref<819200x128xf32, #tpu.memory_space<hbm>> -> memref<128x128xf32, #tpu.memory_space<hbm>>
    tpu.wait_dma2 semaphore(%arg18 : memref<!tpu.dma_semaphore, #tpu.memory_space<semaphore_mem>>) src(%arg8 : memref<128x128xf32, #tpu.memory_space<vmem>>) dst(%dma_wait3A_88 : memref<128x128xf32, #tpu.memory_space<hbm>>)
    %add3A_89 = arith.constant 25344 : i32
    %add3A_90 = arith.addi %mul3A_4, %add3A_89 : i32
    %dma_wait3A_91 = arith.constant 0 : i32
    %dma_wait3A_92 = tpu.memref_slice %arg4[%add3A_90, %dma_wait3A_91] : memref<819200x128xf32, #tpu.memory_space<hbm>> -> memref<128x128xf32, #tpu.memory_space<hbm>>
    %dma_wait3A_93 = arith.constant 0 : i32
    %dma_wait3A_94 = tpu.memref_slice %arg4[%add3A_90, %dma_wait3A_93] : memref<819200x128xf32, #tpu.memory_space<hbm>> -> memref<128x128xf32, #tpu.memory_space<hbm>>
    tpu.wait_dma2 semaphore(%arg19 : memref<!tpu.dma_semaphore, #tpu.memory_space<semaphore_mem>>) src(%arg9 : memref<128x128xf32, #tpu.memory_space<vmem>>) dst(%dma_wait3A_94 : memref<128x128xf32, #tpu.memory_space<hbm>>)
    %add3A_95 = arith.constant 25472 : i32
    %add3A_96 = arith.addi %mul3A_4, %add3A_95 : i32
    %dma_wait3A_97 = arith.constant 0 : i32
    %dma_wait3A_98 = tpu.memref_slice %arg4[%add3A_96, %dma_wait3A_97] : memref<819200x128xf32, #tpu.memory_space<hbm>> -> memref<128x128xf32, #tpu.memory_space<hbm>>
    %dma_wait3A_99 = arith.constant 0 : i32
    %dma_wait3A_100 = tpu.memref_slice %arg4[%add3A_96, %dma_wait3A_99] : memref<819200x128xf32, #tpu.memory_space<hbm>> -> memref<128x128xf32, #tpu.memory_space<hbm>>
    tpu.wait_dma2 semaphore(%arg20 : memref<!tpu.dma_semaphore, #tpu.memory_space<semaphore_mem>>) src(%arg10 : memref<128x128xf32, #tpu.memory_space<vmem>>) dst(%dma_wait3A_100 : memref<128x128xf32, #tpu.memory_space<hbm>>)
    return
  }
}

</mosaic_0001>

<sc_bundles>
// kernel: _gather_rows.3.cloned.1.call-start
scs
__scs_entry_jumppad:
0x0: {  	(pc) =	sbr.rel $0x88, $3  }
0x1: {  	(tag) =	ssettag $0x0;
	lr =	simm.s32 $0x1  }
0x2: {  	[smem:$0x3F9F] =	sst lr;
	_ =	strace $0xD0000000  }
0x3: {  	_ = 	snop  }
0x4: {  	_ = 	snop  }
0x5: {  	_ = 	snop  }
0x6: {  	_ = 	snop  }
0x7: {  	_ = 	snop  }
__scs_overlays_trampoline_lowered:
0x8: {  	[smem:$0x3FAE] =	sst s0  }
0x9: {  	[smem:$0x3FAF] =	sst s1  }
0xa: {  	[smem:$0x3FB0] =	sst s2  }
0xb: {  	[smem:$0x3FB1] =	sst s3  }
0xc: {  	[smem:$0x3FB2] =	sst s4  }
0xd: {  	[smem:$0x3FB3] =	sst s5  }
0xe: {  	[smem:$0x3FB4] =	sst s6  }
0xf: {  	[smem:$0x3FB5] =	sst s7  }
0x10: {  	[smem:$0x3FB6] =	sst s8  }
0x11: {  	[smem:$0x3FB7] =	sst s9;
	s0 =	simm.s32 @!p0 $0x0  }
0x12: {  	s1 =	sld [smem:$0x3F9D];
	s0 =	simm.s32 @p0 $0x1  }
0x13: {  	[smem:$0x3FB8] =	sst s0;
	s0 =	simm.s32 @!p1 $0x0  }
0x14: {  	s2 =	sld [smem:$0x3F9C];
	s0 =	simm.s32 @p1 $0x1  }
0x15: {  	[smem:$0x3FB9] =	sst s0;
	s0 =	simm.s32 @!p2 $0x0  }
0x16: {  	s3 =	sld [smem:$0x3FDB];
	s0 =	simm.s32 @p2 $0x1  }
0x17: {  	s4 =	simm.s32 $0x1BF5;
	[smem:$0x3FBB] =	sst s0  }
0x18: {  	s0 =	sld [smem:$0x3F9E];
	_ =	swait.ge [sflag:s4], $0x0  }
0x19: {  	s7 =	sld [smem:$0x3F9F]  }
0x1a: {  	s8 =	sadd.s32 $0xFFFFE003, lr  }
0x1b: {  	s9 =	sadd.s32 $0xFFFFFEF7, lr;
	s5 =	simm.s32 $0xFFFFFFFF;
	p2 =	slt.u32 s8, $0xFFFFF086  }
0x1c: {  	p1 =	slt.u32 s9, $0xF7A;
	s5 =	simm.s32 @!p2 $0x0  }
0x1d: {  	s5 =	simm.s32 @p1 $0x1;
	p0 =	seq.s32 s7, s2  }
0x1e: {  	s7 =	smul.u32 @!p0 $0xF7A, s2;
	p2 =	seq.s32 @!p0 s5, $0x0  }
0x1f: {  	s9 =	smul.u32 $0xF7A, s1;
	s8 =	simm.s32 @!p0 $0x1BF5;
	p2 =	por !p2, p0  }
0x20: {  	[sflag:s8] =	ssyncset.s32 @!p0 $0xFFFFF086;
	s6 =	sadd.s32 @!p0 s3, s7;
	s7 =	simm.s32 @!p0 $0x108  }
0x21: {  	s3 =	sadd.s32 s3, s9;
	s6 =	sadd.s32 @!p0 $0x88, s6;
	s7 =	simm.s32 @p2 $0x1082  }
0x22: {  	[simem:s7], [sflag:s8] =	dma.local @!p0 [hbm:s6], $0xF7A  }
0x23: {  	s9 =	sor.u32 $0xD0000000, s2;
	s6 =	simm.s32 $0x108;
	_ =	swait.ge @!p0 [sflag:s8], $0x0  }
0x24: {  	s3 =	sadd.s32 $0x88, s3;
	s6 =	simm.s32 @!p1 $0x1082;
	[sflag:s4] =	ssyncset.s32 $0xFFFFF086  }
0x25: {  	[simem:s6], [sflag:s4] =	dma.local [hbm:s3], $0xF7A  }
0x26: {  	[smem:$0x3F9F] =	sst s1;
	(tag) =	ssettag s2;
	_ =	strace s9  }
0x27: {  	s1 =	sld [smem:$0x3FAF]  }
0x28: {  	s2 =	sld [smem:$0x3FB0]  }
0x29: {  	s4 =	sld [smem:$0x3FB2]  }
0x2a: {  	p0 =	seq.s32 s5, $0x0;
	s5 =	sld [smem:$0x3FB3]  }
0x2b: {  	s6 =	sld [smem:$0x3FB4]  }
0x2c: {  	s7 =	sld [smem:$0x3FB5]  }
0x2d: {  	s3 =	simm.s32 $0x108;
	s8 =	sld [smem:$0x3FB6]  }
0x2e: {  	s3 =	simm.s32 @!p0 $0x1082;
	s9 =	sld [smem:$0x3FB7]  }
0x2f: {  	lr =	sadd.s32 s0, s3;
	s0 =	sld [smem:$0x3FAE]  }
0x30: {  	s3 =	sld [smem:$0x3FB1]  }
0x31: {  	[smem:$0x3FBA] =	sst s10  }
0x32: {  	s10 =	sld [smem:$0x3FB8];
	_ =	sdelay $0x3  }
0x33: {  	p0 =	seq.s32 s10, $0x1;
	s10 =	sld [smem:$0x3FBA];
	_ =	sdelay $0x3  }
0x34: {  	[smem:$0x3FBA] =	sst s10  }
0x35: {  	s10 =	sld [smem:$0x3FB9];
	_ =	sdelay $0x3  }
0x36: {  	p1 =	seq.s32 s10, $0x1;
	s10 =	sld [smem:$0x3FBA];
	_ =	sdelay $0x3  }
0x37: {  	[smem:$0x3FBA] =	sst s10  }
0x38: {  	s10 =	sld [smem:$0x3FBB]  }
0x39: {  	_ = 	snop;
	(pc) =	sbr.ind lr, $3  }
0x3a: {  	_ = 	snop  }
0x3b: {  	_ = 	snop  }
0x3c: {  	p2 =	seq.s32 s10, $0x1;
	s10 =	sld [smem:$0x3FBA]  }
0x3d: {  	_ =	shalt  }
0x3e: {  	_ =	shalt  }
0x3f: {  	_ =	shalt  }
0x40: {  	_ =	shalt  }
0x41: {  	_ =	shalt  }
0x42: {  	_ =	shalt  }
0x43: {  	_ =	shalt  }
0x44: {  	_ =	shalt  }
0x45: {  	_ =	shalt  }
0x46: {  	_ =	shalt  }
0x47: {  	_ =	shalt  }
0x48: {  	_ =	shalt  }
0x49: {  	_ =	shalt  }
0x4a: {  	_ =	shalt  }
0x4b: {  	_ =	shalt  }
0x4c: {  	_ =	shalt  }
0x4d: {  	_ =	shalt  }
0x4e: {  	_ =	shalt  }
0x4f: {  	_ =	shalt  }
0x50: {  	_ =	shalt  }
0x51: {  	_ =	shalt  }
0x52: {  	_ =	shalt  }
0x53: {  	_ =	shalt  }
0x54: {  	_ =	shalt  }
0x55: {  	_ =	shalt  }
0x56: {  	_ =	shalt  }
0x57: {  	_ =	shalt  }
0x58: {  	_ =	shalt  }
0x59: {  	_ =	shalt  }
0x5a: {  	_ =	shalt  }
0x5b: {  	_ =	shalt  }
0x5c: {  	_ =	shalt  }
0x5d: {  	_ =	shalt  }
0x5e: {  	_ =	shalt  }
0x5f: {  	_ =	shalt  }
0x60: {  	_ =	shalt  }
0x61: {  	_ =	shalt  }
0x62: {  	_ =	shalt  }
0x63: {  	_ =	shalt  }
0x64: {  	_ =	shalt  }
0x65: {  	_ =	shalt  }
0x66: {  	_ =	shalt  }
0x67: {  	_ =	shalt  }
0x68: {  	_ =	shalt  }
0x69: {  	_ =	shalt  }
0x6a: {  	_ =	shalt  }
0x6b: {  	_ =	shalt  }
0x6c: {  	_ =	shalt  }
0x6d: {  	_ =	shalt  }
0x6e: {  	_ =	shalt  }
0x6f: {  	_ =	shalt  }
0x70: {  	_ =	shalt  }
0x71: {  	_ =	shalt  }
0x72: {  	_ =	shalt  }
0x73: {  	_ =	shalt  }
0x74: {  	_ =	shalt  }
0x75: {  	_ =	shalt  }
0x76: {  	_ =	shalt  }
0x77: {  	_ =	shalt  }
0x78: {  	_ =	shalt  }
0x79: {  	_ =	shalt  }
0x7a: {  	_ =	shalt  }
0x7b: {  	_ =	shalt  }
0x7c: {  	_ =	shalt  }
0x7d: {  	_ =	shalt  }
0x7e: {  	_ =	shalt  }
0x7f: {  	_ =	shalt  }
0x80: {  	_ =	shalt  }
0x81: {  	_ =	shalt  }
0x82: {  	_ =	shalt  }
0x83: {  	_ =	shalt  }
0x84: {  	_ =	shalt  }
0x85: {  	_ =	shalt  }
0x86: {  	_ =	shalt  }
0x87: {  	_ =	shalt  }
.Lfunc_end0:
.L_simem_size_0:
called_computation_lowered:
.L_overlay_start_0:
0x88: {  	s2 =	sld [smem:$0x3FD9]  }
0x89: {  	s3 =	sld [smem:$0x3FFE];
	_ =	sdelay $0x1  }
0x8a: {  	s1 =	srdreg.scid  }
0x8b: {  	s0 =	sand.u32 $0x1, s1  }
0x8c: {  	s18 =	sshll.u32 s0, $0xA;
	s2 =	sadd.s32 s3, s2  }
0x8d: {  	s2 =	sadd.s32 s2, s18  }
0x8e: {  	[smem:$0x3FC6] =	sst s2  }
0x8f: {  	_ = 	snop  }
0x90: {  	s2 =	sld [smem:$0x3FC9]  }
0x91: {  	s19 =	sld [smem:$0x3FC8]  }
0x92: {  	s4 =	sld [smem:$0x3FD0];
	(tm) =	ssettm $0x1  }
0x93: {  	s5 =	sld [smem:$0x3FFB];
	_ =	sdelay $0x3  }
0x94: {  	_ =	strace s5  }
0x95: {  	s5 =	sld [smem:$0x3FFC];
	_ =	sdelay $0x3  }
0x96: {  	_ =	strace s5  }
0x97: {  	s5 =	sld [smem:$0x3FFD];
	_ =	sdelay $0x3  }
0x98: {  	_ =	strace s5  }
0x99: {  	_ =	strace $0x8FFFFFFF  }
0x9a: {  	s20 =	sld [smem:$0x3FDB];
	_ =	sdelay $0x1  }
0x9b: {  	s6 =	simm.s32 $_scs_section_size  }
0x9c: {  	s7 =	simm.s32 $_size__tile_overlayer_lowered;
	s8 =	simm.s32 $_tile_overlayer_lowered  }
0x9d: {  	s23 =	simm.s32 $0x1BFF;
	s22 =	sshll.u32 s8, $0x1;
	s5 =	sadd.s32 s6, s20  }
0x9e: {  	s9 =	simm.s32 $0x0;
	s21 =	sshll.u32 s7, $0x1;
	s7 =	sadd.s32 s22, s5  }
0x9f: {  	[timem:s9], [sflag:s23] =	dma.local [hbm:s7], s21  }
0xa0: {  	_ =	swait.ge [sflag:s23], s21  }
0xa1: {  	s6 =	ssub.s32 $0x0, s21;
	[sflag:s23] =	ssyncset.done $0x0  }
0xa2: {  	[sflag:s23] =	ssyncadd.s32 s6;
	_ =	sdelay $0x1  }
0xa3: {  	s24 =	simm.s32 $0x1B8B  }
0xa4: {  	_ =	swait.ge [sflag:s24], $0x1  }
0xa5: {  	[sflag:s24] =	ssyncset.done $0x0  }
0xa6: {  	s25 =	simm.s32 $0x1B8E;
	[sflag:s24] =	ssyncadd.s32 $0xFFFFFFFF  }
0xa7: {  	s26 =	simm.s32 $execute0_lowered;
	[smem:$0x3FD2] =	sst s25  }
0xa8: {  	s6 =	sshll.u32 s26, $0x1;
	_ =	strace $0x80000046;
	[dreg:$0x1] =	wrdreg $0xFFFFFFFF  }
0xa9: {  	s28 =	simm.s32 $_size_execute0_lowered;
	s5 =	sadd.s32 s5, s6;
	[dreg:$0x0] =	wrdreg $0x0  }
0xaa: {  	s6 =	sshll.u32 s28, $0x1;
	[dreg:$0x2] =	wrdreg s5  }
0xab: {  	[dreg:$0x3] =	wrdreg s6  }
0xac: {  	[dreg:$0x4] =	wrdreg $0xC0  }
0xad: {  	_ =	task [dreg:s9], $0x5FFFF  }
0xae: {  	[dreg:$0x1] =	wrdreg $0xFFFFFFFF  }
0xaf: {  	[dreg:$0x0] =	wrdreg $0x60  }
0xb0: {  	[dreg:$0x2] =	wrdreg s2  }
0xb1: {  	[dreg:$0x3] =	wrdreg s19  }
0xb2: {  	[dreg:$0x4] =	wrdreg s4  }
0xb3: {  	[dreg:$0x5] =	wrdreg $0x9  }
0xb4: {  	_ =	task.clear_ibuf [dreg:s9], $0x6FFFF;
	_ =	strace $0x90000046  }
0xb5: {  	s29 =	simm.s32 $0x9;
	_ =	strace $0x80000048  }
0xb6: {  	_ =	swait.ge [sflag:s29], $0x1  }
0xb7: {  	[sflag:s29] =	ssyncadd.s32 $0xFFFFFFFF  }
0xb8: {  	_ =	strace $0x90000048  }
0xb9: {  	_ =	sfence  }
0xba: {  	s30 =	sld [smem:$0x0];
	_ =	sdelay $0x2  }
0xbb: {  	s31 =	sshll.u32 s1, $0xD;
	s1 =	sshrl.u32 s1, $0x2  }
0xbc: {  	s3 =	sand.u32 $0x4000, s31;
	s1 =	sadd.s32 s1, s30  }
0xbd: {  	s0 =	sor.u32 s3, s0;
	s1 =	sshll.u32 s1, $0x11  }
0xbe: {  	s0 =	sor.u32 s1, s0  }
0xbf: {  	s0 =	sadd.s32 $0x8F2B, s0  }
0xc0: {  	[sflag:s0] =	ssyncadd.remote.s32 $0x1  }
0xc1: {  	_ =	sfence.sel $0xFFFF  }
0xc2: {  	[dreg:$0x0] =	wrdreg $0xFFFFFFFF;
	(pc) =	sbr.abs _section_cstart, $3  }
0xc3: {  	[dreg:$0x1] =	wrdreg $0xFFFFFFFF  }
0xc4: {  	_ =	task.clear_ibuf [dreg:s9], $0x2FFFF;
	_ =	strace $0x9FFFFFFF  }
0xc5: {  	(tm) =	ssettm $0x7FFFFFFF  }
tec
execute0_lowered:
.L_overlay_start_1:
0x0: {  	(tag) =	ssettag $0x1  }
0x1: {  	s1 =	rddreg [dreg:$0x0]  }
0x2: {  	s4 =	rddreg [dreg:$0x1];
	s2 =	srdreg.scid  }
0x3: {  	s0 =	stileid.u32;
	s5 =	rddreg [dreg:$0x2];
	s3 =	simm.s32 $0x0  }
0x4: {  	s14 =	simm.s32 $0xE400;
	s16 =	simm.s32 $0x12400;
	s17 =	simm.s32 $0x200  }
0x5: {  	s18 =	simm.s32 $0x16400;
	s19 =	simm.s32 $0x1;
	s20 =	simm.s32 $0x3  }
0x6: {  	s21 =	simm.s32 $0x5;
	s22 =	simm.s32 $0x6;
	s23 =	simm.s32 $0x7  }
0x7: {  	s6 =	sand.u32 $0x1, s2;
	s7 =	sshll.u32 s0, $0x1;
	s12 =	smul.u32 $0xC8000, s0  }
0x8: {  	s24 =	simm.s32 $0x8;
	s7 =	sor.u32 s6, s7;
	s29 =	smul.u32 $0x64000, s6  }
0x9: {  	s26 =	simm.s32 $0xA;
	s28 =	simm.s32 $0x0;
	s8 =	smul.u32 $0x6400, s7  }
0xa: {  	[smem:$0x7FF] =	sst s3;
	s9 =	ssub.s32 $0x2, s6;
	s10 =	smul.u32 $0x64000, s7  }
0xb: {  	v0 =	vlaneseq.u32;
	_ =	strace $0x80000047;
	s11 =	sshrl.u32 s9, $0x1;
	s25 =	smul.u32 $0x220, s7  }
.Ltmp0:
0xc: {  	v0 =	vand.u32 $0x3, v0;
	s31 =	sadd.s32 s12, s5;
	s9 =	ssub.s32 s9, s11;
	(pc) =	sbr.rel .LBB2_1-.Ltmp0, $4  }
0xd: {  	v0 =	vmul.u32 $0x88, v0;
	s11 =	simm.s32 $0x6400;
	s8 =	sshrl.u32 s8, $0x3;
	s30 =	sadd.s32 s5, s10  }
0xe: {  	s5 =	smax.u32 s9, $0x1;
	s9 =	simm.s32 $0xB;
	s10 =	simm.s32 $0x80  }
0xf: {  	v0 =	vadd.s32 s25, v0;
	s25 =	simm.s32 $0x9;
	s4 =	sadd.s32 s4, s8;
	s8 =	sadd.s32 s29, s31  }
0x10: {  	s6 =	sadd.s32 $0x62000, s30;
	s7 =	sadd.s32 $0x63000, s30;
	s8 =	sadd.s32 $0x2000, s8  }
.LBB2_6:
0x11: {  	_ =	swait.ge [sflag:s22], $0x4000  }
0x12: {  	[sflag:s22] =	ssyncset.done $0x0  }
0x13: {  	[sflag:s22] =	ssyncadd.s32 $0xFFFFC000  }
0x14: {  	_ =	swait.ge [sflag:s23], $0x4000  }
0x15: {  	[sflag:s23] =	ssyncset.done $0x0  }
0x16: {  	[sflag:s23] =	ssyncadd.s32 $0xFFFFC000  }
0x17: {  	_ =	swait.ge [sflag:s24], $0x4000  }
0x18: {  	[sflag:s24] =	ssyncset.done $0x0  }
0x19: {  	s28 =	sadd.s32 $0x1, s28;
	[sflag:s24] =	ssyncadd.s32 $0xFFFFC000  }
0x1a: {  	p0 =	sne.s32 s28, s5;
	_ =	swait.ge [sflag:s25], $0x4000  }
.Ltmp1:
0x1b: {  	[sflag:s25] =	ssyncset.done $0x0;
	(pc) =	sbr.rel @!p0 .LBB2_7-.Ltmp1, $4  }
0x1c: {  	[sflag:s25] =	ssyncadd.s32 $0xFFFFC000  }
0x1d: {  	_ =	swait.ge [sflag:s26], $0x4000  }
0x1e: {  	[sflag:s26] =	ssyncset.done $0x0  }
0x1f: {  	[sflag:s26] =	ssyncadd.s32 $0xFFFFC000  }
.LBB2_1:
0x20: {  	[tilespmem:s3], [sflag:$0xB] =	stream.linear.gather [hbm4b:s4+s3], $0x6400, $0x38;
	[tilespmem:$0x1A400] =	vst v63  }
0x21: {  	_ =	swait.ge [sflag:s9], $0x6400  }
0x22: {  	[sflag:s9] =	ssyncset.done $0x0  }
0x23: {  	s29 =	simm.s32 $0x0;
	[sflag:s9] =	ssyncadd.s32 $0xFFFF9C00  }
0x24: {  	v3 =	vld [tilespmem:s29+$0x0]  }
0x25: {  	v5 =	vld [tilespmem:s29+$0x10]  }
0x26: {  	v4 =	vld [tilespmem:s29+$0x20]  }
0x27: {  	v2 =	vld [tilespmem:s29+$0x30]  }
0x28: {  	v1 =	vld [tilespmem:s29+$0x40]  }
0x29: {  	v6 =	vadd.s32 v0, v3;
	v3 =	vld [tilespmem:s29+$0x50]  }
0x2a: {  	s30 =	simm.s32 $0x200;
	[tilespmem:s29+$0x0] =	vst v6;
	v6 =	vadd.s32 v0, v5;
	v5 =	vld [tilespmem:s29+$0x60]  }
.LBB2_2:
0x2b: {  	s31 =	sshra.s32 s30, $0x2;
	p0 =	sne.s32 s30, $0x18E00;
	[tilespmem:s29+$0x10] =	vst v6;
	v4 =	vadd.s32 v0, v4;
	v6 =	vld [tilespmem:s29+$0x70]  }
0x2c: {  	v7 =	vld [tilespmem:s31+$0x0];
	[tilespmem:s29+$0x20] =	vst v4;
	v2 =	vadd.s32 v0, v2  }
0x2d: {  	v8 =	vld [tilespmem:s31+$0x10];
	[tilespmem:s29+$0x30] =	vst v2;
	v1 =	vadd.s32 v0, v1  }
.Ltmp2:
0x2e: {  	v4 =	vld [tilespmem:s31+$0x20];
	[tilespmem:s29+$0x40] =	vst v1;
	v1 =	vadd.s32 v0, v3;
	(pc) =	sbr.rel @p0 .LBB2_2-.Ltmp2, $4  }
0x2f: {  	v2 =	vld [tilespmem:s31+$0x30];
	[tilespmem:s29+$0x50] =	vst v1;
	v3 =	vadd.s32 v0, v5  }
0x30: {  	v1 =	vld [tilespmem:s31+$0x40];
	[tilespmem:s29+$0x60] =	vst v3;
	v5 =	vadd.s32 v0, v6  }
0x31: {  	v6 =	vadd.s32 v0, v7;
	v3 =	vld [tilespmem:s31+$0x50];
	[tilespmem:s29+$0x70] =	vst v5;
	s29 =	smov.u32 s31  }
0x32: {  	s30 =	sadd.s32 $0x200, s30;
	[tilespmem:s29+$0x0] =	vst v6;
	v6 =	vadd.s32 v0, v8;
	v5 =	vld [tilespmem:s29+$0x60]  }
0x33: {  	[tilespmem:s29+$0x10] =	vst v6;
	v4 =	vadd.s32 v0, v4;
	v63 =	vld [tilespmem:s29+$0x70]  }
0x34: {  	[tilespmem:s29+$0x20] =	vst v4;
	v2 =	vadd.s32 v0, v2  }
0x35: {  	[tilespmem:s29+$0x30] =	vst v2;
	v1 =	vadd.s32 v0, v1  }
0x36: {  	[tilespmem:s29+$0x40] =	vst v1;
	v1 =	vadd.s32 v0, v3  }
0x37: {  	[tilespmem:s29+$0x50] =	vst v1;
	v1 =	vadd.s32 v0, v5  }
0x38: {  	[tilespmem:s29+$0x60] =	vst v1;
	v1 =	vadd.s32 v0, v63  }
0x39: {  	[tilespmem:s29+$0x70] =	vst v1;
	s29 =	simm.s32 $0x0  }
0x3a: {  	[tilespmem:s11], [sflag:$0x1] =	stream.indirect.gather [hbm4b:s1+s10], $0x80, s29, s10, $0xb8;
	[tilespmem:$0x1A400] =	vst v63  }
0x3b: {  	s0 =	simm.s32 $0xA400  }
0x3c: {  	[tilespmem:s0], [sflag:$0x2] =	stream.indirect.gather [hbm4b:s1+s10], $0x80, s10, s10, $0xb8;
	[tilespmem:$0x1A400] =	vst v63  }
0x3d: {  	s15 =	simm.s32 $0x100  }
0x3e: {  	[tilespmem:s14], [sflag:$0x3] =	stream.indirect.gather [hbm4b:s1+s10], $0x80, s15, s10, $0xb8;
	[tilespmem:$0x1A400] =	vst v63  }
0x3f: {  	s31 =	simm.s32 $0x180  }
0x40: {  	[tilespmem:s16], [sflag:$0x4] =	stream.indirect.gather [hbm4b:s1+s10], $0x80, s31, s10, $0xb8;
	[tilespmem:$0x1A400] =	vst v63  }
0x41: {  	s30 =	smov.u32 s8  }
0x42: {  	[tilespmem:s18], [sflag:$0x5] =	stream.indirect.gather [hbm4b:s1+s10], $0x80, s17, s10, $0xb8;
	[tilespmem:$0x1A400] =	vst v63  }
.LBB2_4:
0x43: {  	_ =	swait.ge [sflag:s19], $0x4000  }
0x44: {  	[sflag:s19] =	ssyncset.done $0x0  }
0x45: {  	s31 =	sadd.s32 $0xFFFFE000, s30;
	p0 =	seq.s32 s29, $0x18600;
	[sflag:s19] =	ssyncadd.s32 $0xFFFFC000  }
0x46: {  	[hbm4b:s31+s3] =	stream.linear.scatter [tilespmem:s11], [sflag:$0x6], $0x4000, $0x38;
	[tilespmem:$0x1A400] =	vst v63  }
0x47: {  	s31 =	simm.s32 @p0 $0x2  }
0x48: {  	_ =	swait.ge @p0 [sflag:s31], $0x4000  }
0x49: {  	[sflag:s31] =	ssyncset.done @p0 $0x0  }
0x4a: {  	s2 =	simm.s32 @p0 $0xA400;
	[sflag:s31] =	ssyncadd.s32 @p0 $0xFFFFC000;
	s31 =	simm.s32 @p0 $0x0  }
0x4b: {  	[hbm4b:s6+s31] =	stream.linear.scatter @p0 [tilespmem:s2], [sflag:$0x7], $0x4000, $0x38;
	[tilespmem:$0x1A400] =	vst v63  }
0x4c: {  	s2 =	simm.s32 @!p0 $0x6  }
0x4d: {  	_ =	swait.ge @!p0 [sflag:s2], $0x4000  }
0x4e: {  	[sflag:s2] =	ssyncset.done @!p0 $0x0  }
0x4f: {  	[sflag:s2] =	ssyncadd.s32 @!p0 $0xFFFFC000;
	s2 =	sshra.s32 @!p0 s29, $0x2  }
0x50: {  	s12 =	simm.s32 @!p0 $0x80;
	s13 =	simm.s32 @!p0 $0x6400;
	s0 =	sadd.s32 @!p0 $0x280, s2  }
0x51: {  	[tilespmem:s13], [sflag:$0x1] =	stream.indirect.gather @!p0 [hbm4b:s1+s12], $0x80, s0, s12, $0xb8;
	[tilespmem:$0x1A400] =	vst v63  }
0x52: {  	s0 =	simm.s32 @!p0 $0x2  }
0x53: {  	_ =	swait.ge @!p0 [sflag:s0], $0x4000  }
0x54: {  	s15 =	simm.s32 @!p0 $0xA400;
	[sflag:s0] =	ssyncset.done @!p0 $0x0  }
0x55: {  	s13 =	simm.s32 @!p0 $0x0;
	[sflag:s0] =	ssyncadd.s32 @!p0 $0xFFFFC000;
	s0 =	sadd.s32 @!p0 $0xFFFFE800, s30  }
0x56: {  	[hbm4b:s0+s13] =	stream.linear.scatter @!p0 [tilespmem:s15], [sflag:$0x7], $0x4000, $0x38;
	[tilespmem:$0x1A400] =	vst v63  }
0x57: {  	s0 =	simm.s32 @!p0 $0x7  }
0x58: {  	_ =	swait.ge @!p0 [sflag:s0], $0x4000  }
0x59: {  	[sflag:s0] =	ssyncset.done @!p0 $0x0  }
0x5a: {  	[sflag:s0] =	ssyncadd.s32 @!p0 $0xFFFFC000;
	s0 =	sadd.s32 @!p0 $0x300, s2  }
0x5b: {  	[tilespmem:s15], [sflag:$0x2] =	stream.indirect.gather @!p0 [hbm4b:s1+s12], $0x80, s0, s12, $0xb8;
	[tilespmem:$0x1A400] =	vst v63  }
0x5c: {  	_ =	swait.ge [sflag:s20], $0x4000  }
0x5d: {  	[sflag:s20] =	ssyncset.done $0x0  }
0x5e: {  	s15 =	sadd.s32 $0xFFFFF000, s30;
	s0 =	simm.s32 @p0 $0x4;
	[sflag:s20] =	ssyncadd.s32 $0xFFFFC000  }
0x5f: {  	[hbm4b:s15+s3] =	stream.linear.scatter [tilespmem:s14], [sflag:$0x8], $0x4000, $0x38;
	[tilespmem:$0x1A400] =	vst v63  }
0x60: {  	_ =	swait.ge @p0 [sflag:s0], $0x4000  }
0x61: {  	[sflag:s0] =	ssyncset.done @p0 $0x0  }
0x62: {  	[sflag:s0] =	ssyncadd.s32 @p0 $0xFFFFC000;
	s0 =	simm.s32 @p0 $0x12400  }
0x63: {  	[hbm4b:s7+s31] =	stream.linear.scatter @p0 [tilespmem:s0], [sflag:$0x9], $0x4000, $0x38;
	[tilespmem:$0x1A400] =	vst v63  }
0x64: {  	s0 =	simm.s32 @!p0 $0x8  }
0x65: {  	_ =	swait.ge @!p0 [sflag:s0], $0x4000  }
0x66: {  	[sflag:s0] =	ssyncset.done @!p0 $0x0  }
0x67: {  	s15 =	simm.s32 @!p0 $0xE400;
	[sflag:s0] =	ssyncadd.s32 @!p0 $0xFFFFC000;
	s0 =	sadd.s32 @!p0 $0x380, s2  }
0x68: {  	[tilespmem:s15], [sflag:$0x3] =	stream.indirect.gather @!p0 [hbm4b:s1+s12], $0x80, s0, s12, $0xb8;
	[tilespmem:$0x1A400] =	vst v63  }
0x69: {  	s0 =	simm.s32 @!p0 $0x4  }
0x6a: {  	_ =	swait.ge @!p0 [sflag:s0], $0x4000  }
0x6b: {  	[sflag:s0] =	ssyncset.done @!p0 $0x0  }
0x6c: {  	s15 =	simm.s32 @!p0 $0x12400;
	[sflag:s0] =	ssyncadd.s32 @!p0 $0xFFFFC000;
	s0 =	sadd.s32 @!p0 $0xFFFFF800, s30  }
0x6d: {  	[hbm4b:s0+s13] =	stream.linear.scatter @!p0 [tilespmem:s15], [sflag:$0x9], $0x4000, $0x38;
	[tilespmem:$0x1A400] =	vst v63  }
0x6e: {  	s0 =	simm.s32 @!p0 $0x9  }
0x6f: {  	_ =	swait.ge @!p0 [sflag:s0], $0x4000  }
0x70: {  	[sflag:s0] =	ssyncset.done @!p0 $0x0  }
0x71: {  	[sflag:s0] =	ssyncadd.s32 @!p0 $0xFFFFC000;
	s0 =	sadd.s32 @!p0 $0x400, s2  }
0x72: {  	[tilespmem:s15], [sflag:$0x4] =	stream.indirect.gather @!p0 [hbm4b:s1+s12], $0x80, s0, s12, $0xb8;
	[tilespmem:$0x1A400] =	vst v63  }
.Ltmp3:
0x73: {  	_ = 	snop;
	(pc) =	sbr.rel @p0 .LBB2_6-.Ltmp3, $4  }
0x74: {  	_ =	swait.ge [sflag:s21], $0x4000  }
0x75: {  	[sflag:s21] =	ssyncset.done $0x0  }
0x76: {  	[sflag:s21] =	ssyncadd.s32 $0xFFFFC000  }
0x77: {  	[hbm4b:s30+s3] =	stream.linear.scatter [tilespmem:s18], [sflag:$0xA], $0x4000, $0x38;
	[tilespmem:$0x1A400] =	vst v63  }
.Ltmp4:
0x78: {  	(pc) =	sbr.rel .LBB2_4-.Ltmp4, $4  }
0x79: {  	_ =	swait.ge [sflag:s26], $0x4000  }
0x7a: {  	s0 =	sshra.s32 s29, $0x2;
	s29 =	sadd.s32 $0xA00, s29;
	[sflag:s26] =	ssyncset.done $0x0  }
0x7b: {  	s30 =	sadd.s32 $0x2800, s30;
	s0 =	sadd.s32 $0x480, s0;
	[sflag:s26] =	ssyncadd.s32 $0xFFFFC000  }
0x7c: {  	[tilespmem:s18], [sflag:$0x5] =	stream.indirect.gather [hbm4b:s1+s10], $0x80, s0, s10, $0xb8;
	[tilespmem:$0x1A400] =	vst v63  }
.LBB2_7:
0x7d: {  	_ =	sfence.sel $0x180000  }
0x7e: {  	[bflag:$0x0] =	sbarrier.arrive $0xFFFF  }
0x7f: {  	_ =	strace $0x90000047  }
0x80: {  	s0 =	stileid.u32;
	[bflag:$0x2] =	sbarrier.arrive $0xFFFF  }
0x81: {  	p0 =	sne.s32 s0, $0x0;
	s0 =	rddreg [dreg:$0x3]  }
0x82: {  	s0 =	sadd.s32 @!p0 $0x100000, s0  }
0x83: {  	[sflag:s0] =	ssyncadd.tile.s32 @!p0 $0x1;
	_ =	shalt  }
.Lfunc_end2:
_tile_overlayer_lowered:
.L_overlay_start_2:
0x84: {  	(tag) =	ssettag $0x2  }
0x85: {  	s0 =	rddreg [dreg:$0x0];
	s2 =	stileid.u32  }
0x86: {  	s1 =	rddreg [dreg:$0x1];
	p0 =	sne.s32 s2, $0x0  }
0x87: {  	s3 =	rddreg [dreg:$0x2];
	[bflag:$0x3] =	sbarrier.arrive $0xFFFF;
	s2 =	simm.s32 @!p0 $0x1C0B  }
0x88: {  	[timem:s3], [sflag:s2] =	dma.local @!p0 [hbm:s0], s1  }
0x89: {  	s0 =	simm.s32 @!p0 $0xB  }
0x8a: {  	_ =	swait.ge @!p0 [sflag:s0], s1  }
0x8b: {  	s1 =	ssub.s32 @!p0 $0x0, s1;
	[sflag:s0] =	ssyncset.done @!p0 $0x0  }
0x8c: {  	[sflag:s0] =	ssyncadd.s32 @!p0 s1  }
0x8d: {  	[bflag:$0x3] =	sbarrier.arrive $0xFFFF  }
0x8e: {  	_ =	shalt  }

</sc_bundles>
